<compile_context>
chip_gen: v7x
topology: tpu7x:2x2x1
jax: 0.10.2.dev20260603
libtpu: 0.0.44.dev20260713+nightly
codegen_flags: <defaults>
</compile_context>

<pallas_src>
import jax
import jax.numpy as jnp
import numpy as np
from jax.experimental import pallas as pl

NUM_STAGES = 3
EMBED_DIM = 96
K_NEIGHBORS = 32
ALPHA = 1000.0
BETA = 100.0


def _index_points(pts, idx):
    return jax.vmap(lambda p, i: p[i])(pts, idx)


def _fps(xyz, n_group):
    B, N, _ = xyz.shape

    def body(i, state):
        idx, dists, farthest = state
        idx = idx.at[:, i].set(farthest)
        centroid = jax.vmap(lambda p, f: p[f])(xyz, farthest)
        d = jnp.sum((xyz - centroid[:, None, :]) ** 2, axis=-1)
        dists = jnp.minimum(dists, d)
        farthest = jnp.argmax(dists, axis=-1).astype(jnp.int32)
        return idx, dists, farthest

    idx0 = jnp.zeros((B, n_group), dtype=jnp.int32)
    d0 = jnp.full((B, N), 1e10, dtype=jnp.float32)
    f0 = jnp.zeros((B,), dtype=jnp.int32)
    idx, _, _ = jax.lax.fori_loop(0, n_group, body, (idx0, d0, f0))
    return idx


def _knn_idx(k, xyz, centers):
    d2 = jnp.sum((centers[:, :, None, :] - xyz[:, None, :, :]) ** 2, axis=-1)
    _, idx = jax.lax.top_k(-d2, k)
    return idx


def _normalize(x, ref):
    mean = ref[:, :, None, :]
    std = jnp.std(x - mean, ddof=1)
    return (x - mean) / (std + 1e-05)


def _fourier(x4, Bmat):
    xp = jnp.transpose(x4, (0, 2, 3, 1))
    proj = xp @ Bmat
    ff = jnp.concatenate([jnp.sin(2.0 * jnp.pi * proj), jnp.cos(2.0 * jnp.pi * proj)], axis=-1)
    ff = jnp.sign(ff) * jnp.abs(ff) ** 5
    return jnp.transpose(ff, (0, 3, 1, 2))


def _tr_embed(my_dim, T):
    B, in_dim, G, K = T.shape
    feat_dim = my_dim // (2 * in_dim)
    fr = jnp.arange(feat_dim, dtype=jnp.float32)
    dim_embed = jnp.power(ALPHA, fr / feat_dim)
    div = BETA * T[..., None] / dim_embed
    s = jnp.sin(div)
    c = jnp.cos(div)
    e = jnp.stack([s, c], axis=5).reshape(B, in_dim, G, K, 2 * feat_dim)
    e = jnp.transpose(e, (0, 1, 4, 2, 3)).reshape(B, my_dim, G, K)
    return e


def _lga(lc_xyz, lc_x, knn_xyz, knn_x, Bmat):
    B, G, K, C = knn_x.shape
    knn_x = _normalize(knn_x, lc_x)
    knn_xyz = _normalize(knn_xyz, lc_xyz)
    lc = jnp.broadcast_to(lc_xyz[:, :, None, :], (B, G, K, 3))
    lc = jnp.transpose(lc, (0, 3, 1, 2))
    kx = jnp.transpose(knn_x, (0, 3, 1, 2))
    kz = jnp.transpose(knn_xyz, (0, 3, 1, 2))
    cross = jnp.cross(kz, lc, axis=1)
    dot = jnp.sum(kz * lc, axis=1, keepdims=True)
    emb = jnp.concatenate([kz, cross, dot], axis=1)
    emb = _fourier(emb, Bmat)
    knn_x_w = jnp.concatenate([kx, emb], axis=1)
    pos = _tr_embed(2 * C, kz) + _tr_embed(2 * C, lc)
    final_x = knn_x_w + pos
    final_x = final_x * pos
    return final_x


def _identity_kernel(x_ref, o_ref):
    o_ref[...] = x_ref[...]


def kernel(xyz, x):
    for s in range(NUM_STAGES):
        B, N, _ = xyz.shape
        G = N // 2
        fps_idx = _fps(jax.lax.stop_gradient(xyz), G)
        lc_xyz = _index_points(xyz, fps_idx)
        lc_x = _index_points(x, fps_idx)
        knn_idx = _knn_idx(K_NEIGHBORS, xyz, lc_xyz)
        knn_xyz = _index_points(xyz, knn_idx)
        knn_x = _index_points(x, knn_idx)
        C = x.shape[-1]
        Bmat = jnp.asarray(np.random.default_rng(100 + s).standard_normal((7, C // 2)).astype(np.float32) * 50.0)
        f = _lga(lc_xyz, lc_x, knn_xyz, knn_x, Bmat)
        pooled = jnp.max(f, axis=-1) + jnp.mean(f, axis=-1)
        x = jnp.transpose(pooled, (0, 2, 1))
        xyz = lc_xyz
    out = jnp.transpose(x, (0, 2, 1))
    return pl.pallas_call(
        _identity_kernel,
        out_shape=jax.ShapeDtypeStruct(out.shape, out.dtype),
    )(out)

# --- scband reference (transcript-rebuilt; emitter-appended) ---
"""Pipeline reference for scband-enc-np-41188736369123 (READ-ONLY COPY).

The authoritative reference and input builder live on the scoring server;
editing this copy changes nothing except your own understanding.
"""

import jax, jax.numpy as jnp
import numpy as np

NUM_STAGES = 3
EMBED_DIM = 96
K_NEIGHBORS = 32
ALPHA = 1000.0
BETA = 100.0
BATCH = 4
N_POINTS = 1024


def setup_inputs(seed: int = 0):
    key = jax.random.key(seed)
    k1, k2 = jax.random.split(key)
    xyz = jax.random.uniform(k1, (BATCH, N_POINTS, 3), dtype=jnp.float32)
    x = jax.random.normal(k2, (BATCH, N_POINTS, EMBED_DIM), dtype=jnp.float32)
    return {"xyz": xyz, "x": x}


def _index_points(pts, idx):
    # pts: [B, N, C]; idx: [B, G] or [B, G, K]
    return jax.vmap(lambda p, i: p[i])(pts, idx)


def _fps(xyz, n_group):
    # furthest point sampling (pointnet2_utils.furthest_point_sample)
    B, N, _ = xyz.shape

    def body(i, state):
        idx, dists, farthest = state
        idx = idx.at[:, i].set(farthest)
        centroid = jax.vmap(lambda p, f: p[f])(xyz, farthest)  # [B, 3]
        d = jnp.sum((xyz - centroid[:, None, :]) ** 2, axis=-1)
        dists = jnp.minimum(dists, d)
        farthest = jnp.argmax(dists, axis=-1).astype(jnp.int32)
        return idx, dists, farthest

    idx0 = jnp.zeros((B, n_group), dtype=jnp.int32)
    d0 = jnp.full((B, N), 1e10, dtype=jnp.float32)
    f0 = jnp.zeros((B,), dtype=jnp.int32)
    idx, _, _ = jax.lax.fori_loop(0, n_group, body, (idx0, d0, f0))
    return idx


def _knn_idx(k, xyz, centers):
    # knn_point: for each center find k nearest points in xyz
    d2 = jnp.sum((centers[:, :, None, :] - xyz[:, None, :, :]) ** 2, axis=-1)  # [B, G, N]
    _, idx = jax.lax.top_k(-d2, k)
    return idx


def _normalize(x, ref):
    mean = ref[:, :, None, :]
    std = jnp.std(x - mean, ddof=1)
    return (x - mean) / (std + 1e-05)


def _fourier(x4, Bmat):
    # x4: [B, Cin, G, K] -> [B, mapping_size, G, K]
    xp = jnp.transpose(x4, (0, 2, 3, 1))
    proj = xp @ Bmat
    ff = jnp.concatenate([jnp.sin(2.0 * jnp.pi * proj), jnp.cos(2.0 * jnp.pi * proj)], axis=-1)
    ff = jnp.sign(ff) * jnp.abs(ff) ** 5
    return jnp.transpose(ff, (0, 3, 1, 2))


def _tr_embed(my_dim, T):
    B, in_dim, G, K = T.shape
    feat_dim = my_dim // (2 * in_dim)
    fr = jnp.arange(feat_dim, dtype=jnp.float32)
    dim_embed = jnp.power(ALPHA, fr / feat_dim)
    div = BETA * T[..., None] / dim_embed  # [B, in_dim, G, K, feat_dim]
    s = jnp.sin(div)
    c = jnp.cos(div)
    e = jnp.stack([s, c], axis=5).reshape(B, in_dim, G, K, 2 * feat_dim)
    e = jnp.transpose(e, (0, 1, 4, 2, 3)).reshape(B, my_dim, G, K)
    return e


def _lga(lc_xyz, lc_x, knn_xyz, knn_x, Bmat):
    B, G, K, C = knn_x.shape
    knn_x = _normalize(knn_x, lc_x)
    knn_xyz = _normalize(knn_xyz, lc_xyz)
    lc = jnp.broadcast_to(lc_xyz[:, :, None, :], (B, G, K, 3))
    lc = jnp.transpose(lc, (0, 3, 1, 2))          # [B, 3, G, K]
    kx = jnp.transpose(knn_x, (0, 3, 1, 2))       # [B, C, G, K]
    kz = jnp.transpose(knn_xyz, (0, 3, 1, 2))     # [B, 3, G, K]
    cross = jnp.cross(kz, lc, axis=1)
    dot = jnp.sum(kz * lc, axis=1, keepdims=True)
    emb = jnp.concatenate([kz, cross, dot], axis=1)   # [B, 7, G, K]
    emb = _fourier(emb, Bmat)                          # [B, C, G, K]
    knn_x_w = jnp.concatenate([kx, emb], axis=1)       # [B, 2C, G, K]
    pos = _tr_embed(2 * C, kz) + _tr_embed(2 * C, lc)
    final_x = knn_x_w + pos
    final_x = final_x * pos
    return final_x


def reference(xyz, x):
    for s in range(NUM_STAGES):
        B, N, _ = xyz.shape
        G = N // 2
        fps_idx = _fps(jax.lax.stop_gradient(xyz), G)
        lc_xyz = _index_points(xyz, fps_idx)
        lc_x = _index_points(x, fps_idx)
        knn_idx = _knn_idx(K_NEIGHBORS, jax.lax.stop_gradient(xyz), jax.lax.stop_gradient(lc_xyz))
        knn_xyz = _index_points(xyz, knn_idx)
        knn_x = _index_points(x, knn_idx)
        C = x.shape[-1]
        Bmat = jnp.asarray(np.random.default_rng(100 + s).standard_normal((7, C // 2)).astype(np.float32) * 50.0)
        f = _lga(lc_xyz, lc_x, knn_xyz, knn_x, Bmat)   # [B, 2C, G, K]
        pooled = jnp.max(f, axis=-1) + jnp.mean(f, axis=-1)  # [B, 2C, G]
        x = jnp.transpose(pooled, (0, 2, 1))
        xyz = lc_xyz
    return jnp.transpose(x, (0, 2, 1))  # [B, 768, 128]

if __name__ == "__main__":
    import jax
    _d = setup_inputs()
    print(jax.jit(kernel)(*tuple(_d.values())))

</pallas_src>

<mosaic_0001>
module attributes {stable_mosaic.version = 14 : i64} {
  func.func @_identity_kernel(%arg0: memref<4x768x128xf32, #tpu.memory_space<vmem>>, %arg1: memref<4x768x128xf32, #tpu.memory_space<vmem>>) attributes {dimension_semantics = [], scalar_prefetch = 0 : i64, scratch_operands = 0 : i64, tpu.core_type = #tpu.core_type<tc>} {
    %get3A = arith.constant 0 : index
    %get3A_0 = arith.constant 0 : index
    %get3A_1 = arith.constant 0 : index
    %get3A_2 = vector.load %arg0[%get3A, %get3A_0, %get3A_1] : memref<4x768x128xf32, #tpu.memory_space<vmem>>, vector<4x768x128xf32>
    %swap3A = arith.constant 0 : index
    %swap3A_3 = arith.constant 0 : index
    %swap3A_4 = arith.constant 0 : index
    %swap3A_5 = vector.load %arg1[%swap3A, %swap3A_3, %swap3A_4] : memref<4x768x128xf32, #tpu.memory_space<vmem>>, vector<4x768x128xf32>
    tpu.vector_store %arg1[%swap3A, %swap3A_3, %swap3A_4], %get3A_2 {strides = array<i32>} : memref<4x768x128xf32, #tpu.memory_space<vmem>>, vector<4x768x128xf32>,
    return
  }
}

</mosaic_0001>

<sc_bundles>
// kernel: gather_offload_async_start.1
scs
__scs_entry_jumppad:
0x0: {  	(pc) =	sbr.rel $0x88, $3  }
0x1: {  	(tag) =	ssettag $0x0;
	lr =	simm.s32 $0x1  }
0x2: {  	[smem:$0x3F9F] =	sst lr;
	_ =	strace $0xD0000000  }
0x3: {  	_ = 	snop  }
0x4: {  	_ = 	snop  }
0x5: {  	_ = 	snop  }
0x6: {  	_ = 	snop  }
0x7: {  	_ = 	snop  }
__scs_overlays_trampoline_lowered:
0x8: {  	[smem:$0x3FAE] =	sst s0  }
0x9: {  	[smem:$0x3FAF] =	sst s1  }
0xa: {  	[smem:$0x3FB0] =	sst s2  }
0xb: {  	[smem:$0x3FB1] =	sst s3  }
0xc: {  	[smem:$0x3FB2] =	sst s4  }
0xd: {  	[smem:$0x3FB3] =	sst s5  }
0xe: {  	[smem:$0x3FB4] =	sst s6  }
0xf: {  	[smem:$0x3FB5] =	sst s7  }
0x10: {  	[smem:$0x3FB6] =	sst s8  }
0x11: {  	[smem:$0x3FB7] =	sst s9;
	s0 =	simm.s32 @!p0 $0x0  }
0x12: {  	s1 =	sld [smem:$0x3F9D];
	s0 =	simm.s32 @p0 $0x1  }
0x13: {  	[smem:$0x3FB8] =	sst s0;
	s0 =	simm.s32 @!p1 $0x0  }
0x14: {  	s2 =	sld [smem:$0x3F9C];
	s0 =	simm.s32 @p1 $0x1  }
0x15: {  	[smem:$0x3FB9] =	sst s0;
	s0 =	simm.s32 @!p2 $0x0  }
0x16: {  	s3 =	sld [smem:$0x3FDB];
	s0 =	simm.s32 @p2 $0x1  }
0x17: {  	s4 =	simm.s32 $0x1BF5;
	[smem:$0x3FBB] =	sst s0  }
0x18: {  	s0 =	sld [smem:$0x3F9E];
	_ =	swait.ge [sflag:s4], $0x0  }
0x19: {  	s7 =	sld [smem:$0x3F9F]  }
0x1a: {  	s8 =	sadd.s32 $0xFFFFE003, lr  }
0x1b: {  	s9 =	sadd.s32 $0xFFFFFEF7, lr;
	s5 =	simm.s32 $0xFFFFFFFF;
	p2 =	slt.u32 s8, $0xFFFFF086  }
0x1c: {  	p1 =	slt.u32 s9, $0xF7A;
	s5 =	simm.s32 @!p2 $0x0  }
0x1d: {  	s5 =	simm.s32 @p1 $0x1;
	p0 =	seq.s32 s7, s2  }
0x1e: {  	s7 =	smul.u32 @!p0 $0xF7A, s2;
	p2 =	seq.s32 @!p0 s5, $0x0  }
0x1f: {  	s9 =	smul.u32 $0xF7A, s1;
	s8 =	simm.s32 @!p0 $0x1BF5;
	p2 =	por !p2, p0  }
0x20: {  	[sflag:s8] =	ssyncset.s32 @!p0 $0xFFFFF086;
	s6 =	sadd.s32 @!p0 s3, s7;
	s7 =	simm.s32 @!p0 $0x108  }
0x21: {  	s3 =	sadd.s32 s3, s9;
	s6 =	sadd.s32 @!p0 $0x88, s6;
	s7 =	simm.s32 @p2 $0x1082  }
0x22: {  	[simem:s7], [sflag:s8] =	dma.local @!p0 [hbm:s6], $0xF7A  }
0x23: {  	s9 =	sor.u32 $0xD0000000, s2;
	s6 =	simm.s32 $0x108;
	_ =	swait.ge @!p0 [sflag:s8], $0x0  }
0x24: {  	s3 =	sadd.s32 $0x88, s3;
	s6 =	simm.s32 @!p1 $0x1082;
	[sflag:s4] =	ssyncset.s32 $0xFFFFF086  }
0x25: {  	[simem:s6], [sflag:s4] =	dma.local [hbm:s3], $0xF7A  }
0x26: {  	[smem:$0x3F9F] =	sst s1;
	(tag) =	ssettag s2;
	_ =	strace s9  }
0x27: {  	s1 =	sld [smem:$0x3FAF]  }
0x28: {  	s2 =	sld [smem:$0x3FB0]  }
0x29: {  	s4 =	sld [smem:$0x3FB2]  }
0x2a: {  	p0 =	seq.s32 s5, $0x0;
	s5 =	sld [smem:$0x3FB3]  }
0x2b: {  	s6 =	sld [smem:$0x3FB4]  }
0x2c: {  	s7 =	sld [smem:$0x3FB5]  }
0x2d: {  	s3 =	simm.s32 $0x108;
	s8 =	sld [smem:$0x3FB6]  }
0x2e: {  	s3 =	simm.s32 @!p0 $0x1082;
	s9 =	sld [smem:$0x3FB7]  }
0x2f: {  	lr =	sadd.s32 s0, s3;
	s0 =	sld [smem:$0x3FAE]  }
0x30: {  	s3 =	sld [smem:$0x3FB1]  }
0x31: {  	[smem:$0x3FBA] =	sst s10  }
0x32: {  	s10 =	sld [smem:$0x3FB8];
	_ =	sdelay $0x3  }
0x33: {  	p0 =	seq.s32 s10, $0x1;
	s10 =	sld [smem:$0x3FBA];
	_ =	sdelay $0x3  }
0x34: {  	[smem:$0x3FBA] =	sst s10  }
0x35: {  	s10 =	sld [smem:$0x3FB9];
	_ =	sdelay $0x3  }
0x36: {  	p1 =	seq.s32 s10, $0x1;
	s10 =	sld [smem:$0x3FBA];
	_ =	sdelay $0x3  }
0x37: {  	[smem:$0x3FBA] =	sst s10  }
0x38: {  	s10 =	sld [smem:$0x3FBB]  }
0x39: {  	_ = 	snop;
	(pc) =	sbr.ind lr, $3  }
0x3a: {  	_ = 	snop  }
0x3b: {  	_ = 	snop  }
0x3c: {  	p2 =	seq.s32 s10, $0x1;
	s10 =	sld [smem:$0x3FBA]  }
0x3d: {  	_ =	shalt  }
0x3e: {  	_ =	shalt  }
0x3f: {  	_ =	shalt  }
0x40: {  	_ =	shalt  }
0x41: {  	_ =	shalt  }
0x42: {  	_ =	shalt  }
0x43: {  	_ =	shalt  }
0x44: {  	_ =	shalt  }
0x45: {  	_ =	shalt  }
0x46: {  	_ =	shalt  }
0x47: {  	_ =	shalt  }
0x48: {  	_ =	shalt  }
0x49: {  	_ =	shalt  }
0x4a: {  	_ =	shalt  }
0x4b: {  	_ =	shalt  }
0x4c: {  	_ =	shalt  }
0x4d: {  	_ =	shalt  }
0x4e: {  	_ =	shalt  }
0x4f: {  	_ =	shalt  }
0x50: {  	_ =	shalt  }
0x51: {  	_ =	shalt  }
0x52: {  	_ =	shalt  }
0x53: {  	_ =	shalt  }
0x54: {  	_ =	shalt  }
0x55: {  	_ =	shalt  }
0x56: {  	_ =	shalt  }
0x57: {  	_ =	shalt  }
0x58: {  	_ =	shalt  }
0x59: {  	_ =	shalt  }
0x5a: {  	_ =	shalt  }
0x5b: {  	_ =	shalt  }
0x5c: {  	_ =	shalt  }
0x5d: {  	_ =	shalt  }
0x5e: {  	_ =	shalt  }
0x5f: {  	_ =	shalt  }
0x60: {  	_ =	shalt  }
0x61: {  	_ =	shalt  }
0x62: {  	_ =	shalt  }
0x63: {  	_ =	shalt  }
0x64: {  	_ =	shalt  }
0x65: {  	_ =	shalt  }
0x66: {  	_ =	shalt  }
0x67: {  	_ =	shalt  }
0x68: {  	_ =	shalt  }
0x69: {  	_ =	shalt  }
0x6a: {  	_ =	shalt  }
0x6b: {  	_ =	shalt  }
0x6c: {  	_ =	shalt  }
0x6d: {  	_ =	shalt  }
0x6e: {  	_ =	shalt  }
0x6f: {  	_ =	shalt  }
0x70: {  	_ =	shalt  }
0x71: {  	_ =	shalt  }
0x72: {  	_ =	shalt  }
0x73: {  	_ =	shalt  }
0x74: {  	_ =	shalt  }
0x75: {  	_ =	shalt  }
0x76: {  	_ =	shalt  }
0x77: {  	_ =	shalt  }
0x78: {  	_ =	shalt  }
0x79: {  	_ =	shalt  }
0x7a: {  	_ =	shalt  }
0x7b: {  	_ =	shalt  }
0x7c: {  	_ =	shalt  }
0x7d: {  	_ =	shalt  }
0x7e: {  	_ =	shalt  }
0x7f: {  	_ =	shalt  }
0x80: {  	_ =	shalt  }
0x81: {  	_ =	shalt  }
0x82: {  	_ =	shalt  }
0x83: {  	_ =	shalt  }
0x84: {  	_ =	shalt  }
0x85: {  	_ =	shalt  }
0x86: {  	_ =	shalt  }
0x87: {  	_ =	shalt  }
.Lfunc_end0:
.L_simem_size_0:
called_computation.4_lowered:
.L_overlay_start_0:
0x88: {  	s2 =	sld [smem:$0x3FD9]  }
0x89: {  	s3 =	sld [smem:$0x3FFE];
	_ =	sdelay $0x1  }
0x8a: {  	s1 =	srdreg.scid  }
0x8b: {  	s0 =	sand.u32 $0x1, s1  }
0x8c: {  	s17 =	sshll.u32 s0, $0xA;
	s2 =	sadd.s32 s3, s2  }
0x8d: {  	s2 =	sadd.s32 s2, s17  }
0x8e: {  	[smem:$0x3FC6] =	sst s2  }
0x8f: {  	_ = 	snop  }
0x90: {  	s2 =	sld [smem:$0x3FD0];
	(tm) =	ssettm $0x1  }
0x91: {  	s18 =	sld [smem:$0x3FFB];
	_ =	sdelay $0x3  }
0x92: {  	_ =	strace s18  }
0x93: {  	s3 =	sld [smem:$0x3FFC];
	_ =	sdelay $0x3  }
0x94: {  	_ =	strace s3  }
0x95: {  	s3 =	sld [smem:$0x3FFD];
	_ =	sdelay $0x3  }
0x96: {  	_ =	strace s3  }
0x97: {  	_ =	strace $0x8FFFFFFF  }
0x98: {  	s19 =	sld [smem:$0x3FDB];
	_ =	sdelay $0x1  }
0x99: {  	s4 =	simm.s32 $_scs_section_size  }
0x9a: {  	s5 =	simm.s32 $_size__tile_overlayer_lowered;
	s6 =	simm.s32 $_tile_overlayer_lowered  }
0x9b: {  	s22 =	simm.s32 $0x1BFF;
	s21 =	sshll.u32 s6, $0x1;
	s3 =	sadd.s32 s4, s19  }
0x9c: {  	s7 =	simm.s32 $0x0;
	s20 =	sshll.u32 s5, $0x1;
	s5 =	sadd.s32 s21, s3  }
0x9d: {  	[timem:s7], [sflag:s22] =	dma.local [hbm:s5], s20  }
0x9e: {  	_ =	swait.ge [sflag:s22], s20  }
0x9f: {  	s4 =	ssub.s32 $0x0, s20;
	[sflag:s22] =	ssyncset.done $0x0  }
0xa0: {  	[sflag:s22] =	ssyncadd.s32 s4;
	_ =	sdelay $0x1  }
0xa1: {  	s23 =	simm.s32 $0x1B8B  }
0xa2: {  	_ =	swait.ge [sflag:s23], $0x1  }
0xa3: {  	[sflag:s23] =	ssyncset.done $0x0  }
0xa4: {  	s25 =	simm.s32 $0x1B8E;
	s24 =	sld [smem:$0x3FFE];
	[sflag:s23] =	ssyncadd.s32 $0xFFFFFFFF  }
0xa5: {  	s26 =	simm.s32 $execute0_lowered;
	[smem:$0x3FD2] =	sst s25  }
0xa6: {  	s5 =	sshll.u32 s26, $0x1;
	_ =	strace $0x80000049;
	[dreg:$0x1] =	wrdreg $0xFFFFFFFF  }
0xa7: {  	s28 =	simm.s32 $_size_execute0_lowered;
	s3 =	sadd.s32 s3, s5;
	[dreg:$0x0] =	wrdreg $0x0  }
0xa8: {  	s5 =	sshll.u32 s28, $0x1;
	[dreg:$0x2] =	wrdreg s3  }
0xa9: {  	[dreg:$0x3] =	wrdreg s5  }
0xaa: {  	[dreg:$0x4] =	wrdreg $0xC0  }
0xab: {  	_ =	task [dreg:s7], $0x5FFFF  }
0xac: {  	[dreg:$0x1] =	wrdreg $0xFFFFFFFF  }
0xad: {  	[dreg:$0x0] =	wrdreg $0x60  }
0xae: {  	[dreg:$0x2] =	wrdreg s24  }
0xaf: {  	[dreg:$0x3] =	wrdreg s2  }
0xb0: {  	[dreg:$0x4] =	wrdreg $0xC  }
0xb1: {  	_ =	task.clear_ibuf [dreg:s7], $0x5FFFF;
	_ =	strace $0x90000049  }
0xb2: {  	s29 =	simm.s32 $0xC;
	_ =	strace $0x8000004B  }
0xb3: {  	_ =	swait.ge [sflag:s29], $0x1  }
0xb4: {  	[sflag:s29] =	ssyncadd.s32 $0xFFFFFFFF  }
0xb5: {  	_ =	strace $0x9000004B  }
0xb6: {  	_ =	sfence  }
0xb7: {  	s30 =	sld [smem:$0x0];
	_ =	sdelay $0x2  }
0xb8: {  	s31 =	sshll.u32 s1, $0xD;
	s1 =	sshrl.u32 s1, $0x2  }
0xb9: {  	s3 =	sand.u32 $0x4000, s31;
	s1 =	sadd.s32 s1, s30  }
0xba: {  	s0 =	sor.u32 s3, s0;
	s1 =	sshll.u32 s1, $0x11  }
0xbb: {  	s0 =	sor.u32 s1, s0  }
0xbc: {  	s0 =	sadd.s32 $0x8F2B, s0  }
0xbd: {  	[sflag:s0] =	ssyncadd.remote.s32 $0x1  }
0xbe: {  	_ =	sfence.sel $0xFFFF  }
0xbf: {  	[dreg:$0x0] =	wrdreg $0xFFFFFFFF;
	(pc) =	sbr.abs _section_cstart, $3  }
0xc0: {  	[dreg:$0x1] =	wrdreg $0xFFFFFFFF  }
0xc1: {  	_ =	task.clear_ibuf [dreg:s7], $0x2FFFF;
	_ =	strace $0x9FFFFFFF  }
0xc2: {  	(tm) =	ssettm $0x7FFFFFFF  }
0xc3: {  	_ =	shalt  }
tec
execute0_lowered:
.L_overlay_start_1:
0x0: {  	(tag) =	ssettag $0x1  }
0x1: {  	s7 =	rddreg [dreg:$0x0]  }
0x2: {  	s2 =	rddreg [dreg:$0x1]  }
0x3: {  	s0 =	rddreg [dreg:$0x2]  }
0x4: {  	s1 =	srdreg.scid;
	_ =	strace $0x8000004A;
	s4 =	simm.s32 $0x1  }
0x5: {  	s9 =	simm.s32 $0x3;
	s12 =	simm.s32 $0x0;
	s5 =	sshll.u32 s1, $0x4  }
.Ltmp0:
0x6: {  	s1 =	stileid.u32;
	s5 =	sand.u32 $0x10, s5;
	(pc) =	sbr.rel .LBB2_1-.Ltmp0, $4  }
0x7: {  	s10 =	simm.s32 $0x0;
	s3 =	sadd.s32 $0x18C00, s7;
	s6 =	sor.u32 s1, s5  }
0x8: {  	[sflag:s4] =	ssyncpa.u1 $0x0;
	s5 =	simm.s32 $0x2;
	s6 =	sshll.u32 s6, $0x6  }
0x9: {  	s7 =	sadd.s32 $0x10600, s7;
	[sflag:s5] =	ssyncpa.u1 $0x0;
	s8 =	sadd.s32 $0x40, s6  }
0xa: {  	vm0 =	vmmov $0xff;
	vm1 =	vcmask $0x3F20;
	[sflag:s9] =	ssyncpa.u1 $0x0;
	s9 =	simm.s32 $0x40;
	s11 =	smov.u32 s6  }
.LBB2_9:
0xb: {  	p0 =	seq.s32 s10, $0x2  }
.Ltmp1:
0xc: {  	_ = 	snop;
	(pc) =	sbr.rel @p0 .LBB2_11-.Ltmp1, $1  }
0xd: {  	_ =	sdelay $0x3  }
.LBB2_10:
0xe: {  	s12 =	sadd.s32 $0x40, s11  }
0xf: {  	s13 =	smov.u32 s6;
	p0 =	slt.s32 s12, s8  }
0x10: {  	s13 =	smov.u32 @p0 s12  }
0x11: {  	s10 =	sadd.s32 $0x1, s10;
	s12 =	smov.u32 s11;
	s11 =	smov.u32 s13  }
.LBB2_1:
0x12: {  	p0 =	sne.s32 s10, $0x0  }
.Ltmp2:
0x13: {  	_ = 	snop;
	(pc) =	sbr.rel @!p0 .LBB2_2-.Ltmp2, $1  }
0x14: {  	_ =	sdelay $0x3  }
0x15: {  	s13 =	sand.u32 $0x1, s10  }
0x16: {  	p0 =	seq.s32 s13, $0x0  }
.Ltmp3:
0x17: {  	_ = 	snop;
	(pc) =	sbr.rel @p0 .LBB2_9-.Ltmp3, $1  }
0x18: {  	_ =	sdelay $0x3  }
0x19: {  	_ =	swait.ge [sflag:s5], $0x40  }
0x1a: {  	[sflag:s5] =	ssyncset.done $0x0  }
0x1b: {  	s13 =	simm.s32 $0x0;
	[sflag:s5] =	ssyncadd.s32 $0xFFFFFFC0  }
0x1c: {  	v0 =	vld.msk [tilespmem:s13+$0x40 ss:$0x1], $0xffff;
	_ =	sdelay $0x4  }
0x1d: {  	v1 =	vshll.u32 v0, $0x5  }
0x1e: {  	vm2 =	veq.s32 v0, $0x80000000;
	v0 =	vshll.u32 v0, $0x11;
	v1 =	vand.u32 $0x1FF80, v1  }
0x1f: {  	v0 =	vand.u32 $0x60000, v0;
	v1 =	vsel vm2, $0xFFFFFF80, v1  }
0x20: {  	v0 =	vsel vm2, $0xFFFE0000, v0;
	v2 =	vand.u32 $0xFFFFFC00, v1  }
0x21: {  	v1 =	vand.u32 $0x380, v1;
	v0 =	vadd.s32 v0, v2  }
0x22: {  	v0 =	vor.u32 v1, v0  }
0x23: {  	v0 =	vshrl.u32 v0, $0x3;
	_ =	sdelay $0x3  }
0x24: {  	s13 =	simm.s32 $0x2080  }
0x25: {  	[tilespmem:s13], [sflag:$0x1] =	stream.indirect_vreg.gather [hbm:s3], $0x80, v0, vm0, $0x38;
	[tilespmem:$0x4080] =	vst v63  }
0x26: {  	s14 =	simm.s32 $0x2480;
	s31 =	simm.s32 $0x10  }
0x27: {  	[tilespmem:s14], [sflag:$0x1] =	stream.indirect_vreg.gather [hbm:s3], $0x80, v0, vm1, $0x38;
	[tilespmem:$0x4080] =	vst v63  }
0x28: {  	s14 =	simm.s32 $0x80;
	v0 =	vld.msk [tilespmem:s31+$0x40 ss:$0x1], $0xffff  }
.LBB2_5:
0x29: {  	p0 =	sne.s32 s14, $0xC0;
	_ =	sdelay $0x4  }
0x2a: {  	v1 =	vshll.u32 v0, $0x5  }
0x2b: {  	vm2 =	veq.s32 v0, $0x80000000;
	v0 =	vshll.u32 v0, $0x11;
	v1 =	vand.u32 $0x1FF80, v1  }
0x2c: {  	v0 =	vand.u32 $0x60000, v0;
	v1 =	vsel vm2, $0xFFFFFF80, v1  }
0x2d: {  	v0 =	vsel vm2, $0xFFFE0000, v0;
	v2 =	vand.u32 $0xFFFFFC00, v1  }
0x2e: {  	v1 =	vand.u32 $0x380, v1;
	v0 =	vadd.s32 v0, v2  }
0x2f: {  	v0 =	vor.u32 v1, v0  }
0x30: {  	v0 =	vshrl.u32 v0, $0x3;
	_ =	sdelay $0x3  }
.Ltmp4:
0x31: {  	s13 =	sadd.s32 $0x800, s13;
	(pc) =	sbr.rel @p0 .LBB2_5-.Ltmp4, $4  }
0x32: {  	[tilespmem:s13], [sflag:$0x1] =	stream.indirect_vreg.gather [hbm:s3], $0x80, v0, vm0, $0x38;
	[tilespmem:$0x4080] =	vst v63  }
0x33: {  	s15 =	sshra.s32 s14, $0x2;
	s16 =	sadd.s32 $0x400, s13  }
0x34: {  	[tilespmem:s16], [sflag:$0x1] =	stream.indirect_vreg.gather [hbm:s3], $0x80, v0, vm1, $0x38;
	[tilespmem:$0x4080] =	vst v63  }
0x35: {  	s14 =	sadd.s32 $0x40, s14;
	v0 =	vld.msk [tilespmem:s15+$0x40 ss:$0x1], $0xffff  }
0x36: {  	_ =	sdelay $0x3  }
0x37: {  	v1 =	vshll.u32 v0, $0x5  }
0x38: {  	vm2 =	veq.s32 v0, $0x80000000;
	v63 =	vshll.u32 v0, $0x11;
	v1 =	vand.u32 $0x1FF80, v1  }
0x39: {  	v0 =	vand.u32 $0x60000, v63;
	v1 =	vsel vm2, $0xFFFFFF80, v1  }
0x3a: {  	v0 =	vsel vm2, $0xFFFE0000, v0;
	v2 =	vand.u32 $0xFFFFFC00, v1  }
0x3b: {  	v1 =	vand.u32 $0x380, v1;
	v0 =	vadd.s32 v0, v2  }
0x3c: {  	v0 =	vor.u32 v1, v0  }
0x3d: {  	v0 =	vshrl.u32 v0, $0x3;
	_ =	sdelay $0x3  }
0x3e: {  	s13 =	sadd.s32 $0x800, s13  }
0x3f: {  	[tilespmem:s13], [sflag:$0x1] =	stream.indirect_vreg.gather [hbm:s3], $0x80, v0, vm0, $0x38;
	[tilespmem:$0x4080] =	vst v63  }
0x40: {  	s13 =	sadd.s32 $0x400, s13  }
0x41: {  	[tilespmem:s13], [sflag:$0x1] =	stream.indirect_vreg.gather [hbm:s3], $0x80, v0, vm1, $0x38;
	[tilespmem:$0x4080] =	vst v63  }
0x42: {  	s12 =	sshll.u32 s12, $0x4;
	s14 =	simm.s32 $0x80;
	_ =	swait.ge [sflag:s4], $0x2000  }
0x43: {  	s15 =	simm.s32 $0x2480;
	s12 =	sadd.s32 s12, s2;
	[sflag:s4] =	ssyncset.done $0x0  }
0x44: {  	s16 =	sadd.s32 $0x0, s12;
	s13 =	simm.s32 $0x2080;
	[sflag:s4] =	ssyncadd.s32 $0xFFFFE000  }
.LBB2_7:
0x45: {  	[hbm:s16] =	stream.linear.scatter [tilespmem:s13], [sflag:$0x3], $0x400, $0x38;
	[tilespmem:$0x4080] =	vst v63  }
0x46: {  	s16 =	smov.u32 s14;
	s13 =	smov.u32 s15;
	p0 =	sne.s32 s14, $0x380  }
.Ltmp5:
0x47: {  	s14 =	sadd.s32 $0x80, s14;
	(pc) =	sbr.rel @p0 .LBB2_7-.Ltmp5, $2  }
0x48: {  	_ =	sdelay $0x2  }
0x49: {  	s15 =	sadd.s32 $0x400, s15;
	s16 =	sadd.s32 s16, s12  }
.Ltmp6:
0x4a: {  	(pc) =	sbr.rel .LBB2_9-.Ltmp6, $2  }
0x4b: {  	_ =	sdelay $0x2  }
0x4c: {  	[hbm:s16] =	stream.linear.scatter [tilespmem:s13], [sflag:$0x3], $0x400, $0x38;
	[tilespmem:$0x4080] =	vst v63  }
.LBB2_2:
.Ltmp7:
0x4d: {  	(pc) =	sbr.rel .LBB2_10-.Ltmp7, $4  }
0x4e: {  	_ = 	snop  }
0x4f: {  	s12 =	sshrl.u32 s11, $0x3  }
0x50: {  	s13 =	sand.u32 $0x7, s11;
	s12 =	sadd.s32 s7, s12  }
0x51: {  	[tilespmem:s9], [sflag:$0x2] =	stream.linear.gather [hbm4b:s12+s13], $0x40, $0x38;
	[tilespmem:$0x4080] =	vst v63  }
.LBB2_11:
0x52: {  	s2 =	simm.s32 $0x3  }
0x53: {  	_ =	swait.ge [sflag:s2], $0x2000  }
0x54: {  	[sflag:s2] =	ssyncset.done $0x0  }
0x55: {  	[sflag:s2] =	ssyncadd.s32 $0xFFFFE000  }
0x56: {  	_ =	sfence.sel $0x180000  }
0x57: {  	s3 =	simm.s32 $0x2;
	[bflag:$0x0] =	sbarrier.arrive $0xFFFF  }
0x58: {  	[sflag:s3] =	ssyncpa.u1 $0x1  }
0x59: {  	s31 =	simm.s32 $0x1;
	[sflag:s2] =	ssyncpa.u1 $0x1  }
0x5a: {  	[sflag:s31] =	ssyncpa.u1 $0x1  }
0x5b: {  	p0 =	sne.s32 s1, $0x0;
	_ =	strace $0x9000004A  }
0x5c: {  	s0 =	sadd.s32 @!p0 $0x100000, s0;
	[bflag:$0x2] =	sbarrier.arrive $0xFFFF  }
0x5d: {  	[sflag:s0] =	ssyncadd.tile.s32 @!p0 $0x1;
	_ =	shalt  }
.Lfunc_end2:
_tile_overlayer_lowered:
.L_overlay_start_2:
0x5e: {  	(tag) =	ssettag $0x2  }
0x5f: {  	s0 =	rddreg [dreg:$0x0];
	s2 =	stileid.u32  }
0x60: {  	s1 =	rddreg [dreg:$0x1];
	p0 =	sne.s32 s2, $0x0  }
0x61: {  	s3 =	rddreg [dreg:$0x2];
	[bflag:$0x3] =	sbarrier.arrive $0xFFFF;
	s2 =	simm.s32 @!p0 $0x1C01  }
0x62: {  	[timem:s3], [sflag:s2] =	dma.local @!p0 [hbm:s0], s1  }
0x63: {  	s0 =	simm.s32 @!p0 $0x1  }
0x64: {  	_ =	swait.ge @!p0 [sflag:s0], s1  }
0x65: {  	s1 =	ssub.s32 @!p0 $0x0, s1;
	[sflag:s0] =	ssyncset.done @!p0 $0x0  }
0x66: {  	[sflag:s0] =	ssyncadd.s32 @!p0 s1  }
0x67: {  	[bflag:$0x3] =	sbarrier.arrive $0xFFFF  }
0x68: {  	_ =	shalt  }

// kernel: gather_offload_async_start
scs
__scs_entry_jumppad:
0x0: {  	(pc) =	sbr.rel $0x88, $3  }
0x1: {  	(tag) =	ssettag $0x0;
	lr =	simm.s32 $0x1  }
0x2: {  	[smem:$0x3F9F] =	sst lr;
	_ =	strace $0xD0000000  }
0x3: {  	_ = 	snop  }
0x4: {  	_ = 	snop  }
0x5: {  	_ = 	snop  }
0x6: {  	_ = 	snop  }
0x7: {  	_ = 	snop  }
__scs_overlays_trampoline_lowered:
0x8: {  	[smem:$0x3FAE] =	sst s0  }
0x9: {  	[smem:$0x3FAF] =	sst s1  }
0xa: {  	[smem:$0x3FB0] =	sst s2  }
0xb: {  	[smem:$0x3FB1] =	sst s3  }
0xc: {  	[smem:$0x3FB2] =	sst s4  }
0xd: {  	[smem:$0x3FB3] =	sst s5  }
0xe: {  	[smem:$0x3FB4] =	sst s6  }
0xf: {  	[smem:$0x3FB5] =	sst s7  }
0x10: {  	[smem:$0x3FB6] =	sst s8  }
0x11: {  	[smem:$0x3FB7] =	sst s9;
	s0 =	simm.s32 @!p0 $0x0  }
0x12: {  	s1 =	sld [smem:$0x3F9D];
	s0 =	simm.s32 @p0 $0x1  }
0x13: {  	[smem:$0x3FB8] =	sst s0;
	s0 =	simm.s32 @!p1 $0x0  }
0x14: {  	s2 =	sld [smem:$0x3F9C];
	s0 =	simm.s32 @p1 $0x1  }
0x15: {  	[smem:$0x3FB9] =	sst s0;
	s0 =	simm.s32 @!p2 $0x0  }
0x16: {  	s3 =	sld [smem:$0x3FDB];
	s0 =	simm.s32 @p2 $0x1  }
0x17: {  	s4 =	simm.s32 $0x1BF5;
	[smem:$0x3FBB] =	sst s0  }
0x18: {  	s0 =	sld [smem:$0x3F9E];
	_ =	swait.ge [sflag:s4], $0x0  }
0x19: {  	s7 =	sld [smem:$0x3F9F]  }
0x1a: {  	s8 =	sadd.s32 $0xFFFFE003, lr  }
0x1b: {  	s9 =	sadd.s32 $0xFFFFFEF7, lr;
	s5 =	simm.s32 $0xFFFFFFFF;
	p2 =	slt.u32 s8, $0xFFFFF086  }
0x1c: {  	p1 =	slt.u32 s9, $0xF7A;
	s5 =	simm.s32 @!p2 $0x0  }
0x1d: {  	s5 =	simm.s32 @p1 $0x1;
	p0 =	seq.s32 s7, s2  }
0x1e: {  	s7 =	smul.u32 @!p0 $0xF7A, s2;
	p2 =	seq.s32 @!p0 s5, $0x0  }
0x1f: {  	s9 =	smul.u32 $0xF7A, s1;
	s8 =	simm.s32 @!p0 $0x1BF5;
	p2 =	por !p2, p0  }
0x20: {  	[sflag:s8] =	ssyncset.s32 @!p0 $0xFFFFF086;
	s6 =	sadd.s32 @!p0 s3, s7;
	s7 =	simm.s32 @!p0 $0x108  }
0x21: {  	s3 =	sadd.s32 s3, s9;
	s6 =	sadd.s32 @!p0 $0x88, s6;
	s7 =	simm.s32 @p2 $0x1082  }
0x22: {  	[simem:s7], [sflag:s8] =	dma.local @!p0 [hbm:s6], $0xF7A  }
0x23: {  	s9 =	sor.u32 $0xD0000000, s2;
	s6 =	simm.s32 $0x108;
	_ =	swait.ge @!p0 [sflag:s8], $0x0  }
0x24: {  	s3 =	sadd.s32 $0x88, s3;
	s6 =	simm.s32 @!p1 $0x1082;
	[sflag:s4] =	ssyncset.s32 $0xFFFFF086  }
0x25: {  	[simem:s6], [sflag:s4] =	dma.local [hbm:s3], $0xF7A  }
0x26: {  	[smem:$0x3F9F] =	sst s1;
	(tag) =	ssettag s2;
	_ =	strace s9  }
0x27: {  	s1 =	sld [smem:$0x3FAF]  }
0x28: {  	s2 =	sld [smem:$0x3FB0]  }
0x29: {  	s4 =	sld [smem:$0x3FB2]  }
0x2a: {  	p0 =	seq.s32 s5, $0x0;
	s5 =	sld [smem:$0x3FB3]  }
0x2b: {  	s6 =	sld [smem:$0x3FB4]  }
0x2c: {  	s7 =	sld [smem:$0x3FB5]  }
0x2d: {  	s3 =	simm.s32 $0x108;
	s8 =	sld [smem:$0x3FB6]  }
0x2e: {  	s3 =	simm.s32 @!p0 $0x1082;
	s9 =	sld [smem:$0x3FB7]  }
0x2f: {  	lr =	sadd.s32 s0, s3;
	s0 =	sld [smem:$0x3FAE]  }
0x30: {  	s3 =	sld [smem:$0x3FB1]  }
0x31: {  	[smem:$0x3FBA] =	sst s10  }
0x32: {  	s10 =	sld [smem:$0x3FB8];
	_ =	sdelay $0x3  }
0x33: {  	p0 =	seq.s32 s10, $0x1;
	s10 =	sld [smem:$0x3FBA];
	_ =	sdelay $0x3  }
0x34: {  	[smem:$0x3FBA] =	sst s10  }
0x35: {  	s10 =	sld [smem:$0x3FB9];
	_ =	sdelay $0x3  }
0x36: {  	p1 =	seq.s32 s10, $0x1;
	s10 =	sld [smem:$0x3FBA];
	_ =	sdelay $0x3  }
0x37: {  	[smem:$0x3FBA] =	sst s10  }
0x38: {  	s10 =	sld [smem:$0x3FBB]  }
0x39: {  	_ = 	snop;
	(pc) =	sbr.ind lr, $3  }
0x3a: {  	_ = 	snop  }
0x3b: {  	_ = 	snop  }
0x3c: {  	p2 =	seq.s32 s10, $0x1;
	s10 =	sld [smem:$0x3FBA]  }
0x3d: {  	_ =	shalt  }
0x3e: {  	_ =	shalt  }
0x3f: {  	_ =	shalt  }
0x40: {  	_ =	shalt  }
0x41: {  	_ =	shalt  }
0x42: {  	_ =	shalt  }
0x43: {  	_ =	shalt  }
0x44: {  	_ =	shalt  }
0x45: {  	_ =	shalt  }
0x46: {  	_ =	shalt  }
0x47: {  	_ =	shalt  }
0x48: {  	_ =	shalt  }
0x49: {  	_ =	shalt  }
0x4a: {  	_ =	shalt  }
0x4b: {  	_ =	shalt  }
0x4c: {  	_ =	shalt  }
0x4d: {  	_ =	shalt  }
0x4e: {  	_ =	shalt  }
0x4f: {  	_ =	shalt  }
0x50: {  	_ =	shalt  }
0x51: {  	_ =	shalt  }
0x52: {  	_ =	shalt  }
0x53: {  	_ =	shalt  }
0x54: {  	_ =	shalt  }
0x55: {  	_ =	shalt  }
0x56: {  	_ =	shalt  }
0x57: {  	_ =	shalt  }
0x58: {  	_ =	shalt  }
0x59: {  	_ =	shalt  }
0x5a: {  	_ =	shalt  }
0x5b: {  	_ =	shalt  }
0x5c: {  	_ =	shalt  }
0x5d: {  	_ =	shalt  }
0x5e: {  	_ =	shalt  }
0x5f: {  	_ =	shalt  }
0x60: {  	_ =	shalt  }
0x61: {  	_ =	shalt  }
0x62: {  	_ =	shalt  }
0x63: {  	_ =	shalt  }
0x64: {  	_ =	shalt  }
0x65: {  	_ =	shalt  }
0x66: {  	_ =	shalt  }
0x67: {  	_ =	shalt  }
0x68: {  	_ =	shalt  }
0x69: {  	_ =	shalt  }
0x6a: {  	_ =	shalt  }
0x6b: {  	_ =	shalt  }
0x6c: {  	_ =	shalt  }
0x6d: {  	_ =	shalt  }
0x6e: {  	_ =	shalt  }
0x6f: {  	_ =	shalt  }
0x70: {  	_ =	shalt  }
0x71: {  	_ =	shalt  }
0x72: {  	_ =	shalt  }
0x73: {  	_ =	shalt  }
0x74: {  	_ =	shalt  }
0x75: {  	_ =	shalt  }
0x76: {  	_ =	shalt  }
0x77: {  	_ =	shalt  }
0x78: {  	_ =	shalt  }
0x79: {  	_ =	shalt  }
0x7a: {  	_ =	shalt  }
0x7b: {  	_ =	shalt  }
0x7c: {  	_ =	shalt  }
0x7d: {  	_ =	shalt  }
0x7e: {  	_ =	shalt  }
0x7f: {  	_ =	shalt  }
0x80: {  	_ =	shalt  }
0x81: {  	_ =	shalt  }
0x82: {  	_ =	shalt  }
0x83: {  	_ =	shalt  }
0x84: {  	_ =	shalt  }
0x85: {  	_ =	shalt  }
0x86: {  	_ =	shalt  }
0x87: {  	_ =	shalt  }
.Lfunc_end0:
.L_simem_size_0:
called_computation.3_lowered:
.L_overlay_start_0:
0x88: {  	s2 =	sld [smem:$0x3FD9]  }
0x89: {  	s3 =	sld [smem:$0x3FFE];
	_ =	sdelay $0x1  }
0x8a: {  	s1 =	srdreg.scid  }
0x8b: {  	s0 =	sand.u32 $0x1, s1  }
0x8c: {  	s16 =	sshll.u32 s0, $0xA;
	s2 =	sadd.s32 s3, s2  }
0x8d: {  	s2 =	sadd.s32 s2, s16  }
0x8e: {  	[smem:$0x3FC6] =	sst s2  }
0x8f: {  	_ = 	snop  }
0x90: {  	(tm) =	ssettm $0x1  }
0x91: {  	s17 =	sld [smem:$0x3FFB];
	_ =	sdelay $0x3  }
0x92: {  	_ =	strace s17  }
0x93: {  	s2 =	sld [smem:$0x3FFC];
	_ =	sdelay $0x3  }
0x94: {  	_ =	strace s2  }
0x95: {  	s2 =	sld [smem:$0x3FFD];
	_ =	sdelay $0x3  }
0x96: {  	_ =	strace s2  }
0x97: {  	_ =	strace $0x8FFFFFFF  }
0x98: {  	s18 =	sld [smem:$0x3FDB];
	_ =	sdelay $0x1  }
0x99: {  	s19 =	simm.s32 $_scs_section_size  }
0x9a: {  	s4 =	simm.s32 $_size__tile_overlayer_lowered;
	s5 =	simm.s32 $_tile_overlayer_lowered  }
0x9b: {  	s22 =	simm.s32 $0x1BFF;
	s21 =	sshll.u32 s5, $0x1;
	s2 =	sadd.s32 s19, s18  }
0x9c: {  	s6 =	simm.s32 $0x0;
	s20 =	sshll.u32 s4, $0x1;
	s4 =	sadd.s32 s21, s2  }
0x9d: {  	[timem:s6], [sflag:s22] =	dma.local [hbm:s4], s20  }
0x9e: {  	_ =	swait.ge [sflag:s22], s20  }
0x9f: {  	s3 =	ssub.s32 $0x0, s20;
	[sflag:s22] =	ssyncset.done $0x0  }
0xa0: {  	[sflag:s22] =	ssyncadd.s32 s3;
	_ =	sdelay $0x1  }
0xa1: {  	s23 =	simm.s32 $0x1B8B  }
0xa2: {  	_ =	swait.ge [sflag:s23], $0x1  }
0xa3: {  	[sflag:s23] =	ssyncset.done $0x0  }
0xa4: {  	s25 =	simm.s32 $0x1B8E;
	s24 =	sld [smem:$0x3FFE];
	[sflag:s23] =	ssyncadd.s32 $0xFFFFFFFF  }
0xa5: {  	s26 =	simm.s32 $execute0_lowered;
	[smem:$0x3FD2] =	sst s25  }
0xa6: {  	s4 =	sshll.u32 s26, $0x1;
	_ =	strace $0x80000046;
	[dreg:$0x1] =	wrdreg $0xFFFFFFFF  }
0xa7: {  	s28 =	simm.s32 $_size_execute0_lowered;
	s2 =	sadd.s32 s2, s4;
	[dreg:$0x0] =	wrdreg $0x0  }
0xa8: {  	s4 =	sshll.u32 s28, $0x1;
	[dreg:$0x2] =	wrdreg s2  }
0xa9: {  	[dreg:$0x3] =	wrdreg s4  }
0xaa: {  	[dreg:$0x4] =	wrdreg $0xC0  }
0xab: {  	_ =	task [dreg:s6], $0x5FFFF  }
0xac: {  	[dreg:$0x1] =	wrdreg $0xFFFFFFFF  }
0xad: {  	[dreg:$0x0] =	wrdreg $0x60  }
0xae: {  	[dreg:$0x2] =	wrdreg s24  }
0xaf: {  	[dreg:$0x3] =	wrdreg $0x9  }
0xb0: {  	_ =	task.clear_ibuf [dreg:s6], $0x4FFFF;
	_ =	strace $0x90000046  }
0xb1: {  	s29 =	simm.s32 $0x9;
	_ =	strace $0x80000048  }
0xb2: {  	_ =	swait.ge [sflag:s29], $0x1  }
0xb3: {  	[sflag:s29] =	ssyncadd.s32 $0xFFFFFFFF  }
0xb4: {  	_ =	strace $0x90000048  }
0xb5: {  	_ =	sfence  }
0xb6: {  	s30 =	sld [smem:$0x0];
	_ =	sdelay $0x2  }
0xb7: {  	s31 =	sshll.u32 s1, $0xD;
	s1 =	sshrl.u32 s1, $0x2  }
0xb8: {  	s3 =	sand.u32 $0x4000, s31;
	s1 =	sadd.s32 s1, s30  }
0xb9: {  	s0 =	sor.u32 s3, s0;
	s1 =	sshll.u32 s1, $0x11  }
0xba: {  	s0 =	sor.u32 s1, s0  }
0xbb: {  	s0 =	sadd.s32 $0x8F2B, s0  }
0xbc: {  	[sflag:s0] =	ssyncadd.remote.s32 $0x1  }
0xbd: {  	_ =	sfence.sel $0xFFFF  }
0xbe: {  	[dreg:$0x0] =	wrdreg $0xFFFFFFFF;
	(pc) =	sbr.abs _section_cstart, $3  }
0xbf: {  	[dreg:$0x1] =	wrdreg $0xFFFFFFFF  }
0xc0: {  	_ =	task.clear_ibuf [dreg:s6], $0x2FFFF;
	_ =	strace $0x9FFFFFFF  }
0xc1: {  	(tm) =	ssettm $0x7FFFFFFF  }
tec
execute0_lowered:
.L_overlay_start_1:
0x0: {  	(tag) =	ssettag $0x1  }
0x1: {  	s7 =	rddreg [dreg:$0x0]  }
0x2: {  	s0 =	rddreg [dreg:$0x1];
	_ =	strace $0x80000047  }
0x3: {  	s1 =	srdreg.scid;
	s4 =	simm.s32 $0x1;
	s9 =	simm.s32 $0x3  }
0x4: {  	s12 =	simm.s32 $0x0;
	s10 =	simm.s32 $0x0;
	s5 =	sshll.u32 s1, $0x4  }
.Ltmp0:
0x5: {  	s1 =	stileid.u32;
	s5 =	sand.u32 $0x10, s5;
	(pc) =	sbr.rel .LBB2_1-.Ltmp0, $4  }
0x6: {  	s2 =	sadd.s32 $0x200, s7;
	s3 =	sadd.s32 $0x10600, s7;
	s6 =	sor.u32 s1, s5  }
0x7: {  	[sflag:s4] =	ssyncpa.u1 $0x0;
	s5 =	simm.s32 $0x2;
	s6 =	sshll.u32 s6, $0x6  }
0x8: {  	s7 =	sadd.s32 $0x10800, s7;
	[sflag:s5] =	ssyncpa.u1 $0x0;
	s8 =	sadd.s32 $0x40, s6  }
0x9: {  	vm0 =	vmmov $0xff;
	vm1 =	vcmask $0x3F20;
	[sflag:s9] =	ssyncpa.u1 $0x0;
	s9 =	simm.s32 $0x40;
	s11 =	smov.u32 s6  }
.LBB2_9:
0xa: {  	p0 =	seq.s32 s10, $0x2  }
.Ltmp1:
0xb: {  	_ = 	snop;
	(pc) =	sbr.rel @p0 .LBB2_11-.Ltmp1, $1  }
0xc: {  	_ =	sdelay $0x3  }
.LBB2_10:
0xd: {  	s12 =	sadd.s32 $0x40, s11  }
0xe: {  	s13 =	smov.u32 s6;
	p0 =	slt.s32 s12, s8  }
0xf: {  	s13 =	smov.u32 @p0 s12  }
0x10: {  	s10 =	sadd.s32 $0x1, s10;
	s12 =	smov.u32 s11;
	s11 =	smov.u32 s13  }
.LBB2_1:
0x11: {  	p0 =	sne.s32 s10, $0x0  }
.Ltmp2:
0x12: {  	_ = 	snop;
	(pc) =	sbr.rel @!p0 .LBB2_2-.Ltmp2, $1  }
0x13: {  	_ =	sdelay $0x3  }
0x14: {  	s13 =	sand.u32 $0x1, s10  }
0x15: {  	p0 =	seq.s32 s13, $0x0  }
.Ltmp3:
0x16: {  	_ = 	snop;
	(pc) =	sbr.rel @p0 .LBB2_9-.Ltmp3, $1  }
0x17: {  	_ =	sdelay $0x3  }
0x18: {  	_ =	swait.ge [sflag:s5], $0x40  }
0x19: {  	[sflag:s5] =	ssyncset.done $0x0  }
0x1a: {  	s13 =	simm.s32 $0x0;
	[sflag:s5] =	ssyncadd.s32 $0xFFFFFFC0  }
0x1b: {  	v0 =	vld.msk [tilespmem:s13+$0x40 ss:$0x1], $0xffff;
	_ =	sdelay $0x4  }
0x1c: {  	v1 =	vshll.u32 v0, $0x5  }
0x1d: {  	vm2 =	veq.s32 v0, $0x80000000;
	v0 =	vshll.u32 v0, $0x11;
	v1 =	vand.u32 $0x1FF80, v1  }
0x1e: {  	v0 =	vand.u32 $0x60000, v0;
	v1 =	vsel vm2, $0xFFFFFF80, v1  }
0x1f: {  	v0 =	vsel vm2, $0xFFFE0000, v0;
	v2 =	vand.u32 $0xFFFFFC00, v1  }
0x20: {  	v1 =	vand.u32 $0x380, v1;
	v0 =	vadd.s32 v0, v2  }
0x21: {  	v0 =	vor.u32 v1, v0  }
0x22: {  	v0 =	vshrl.u32 v0, $0x3;
	_ =	sdelay $0x3  }
0x23: {  	s13 =	simm.s32 $0x2080  }
0x24: {  	[tilespmem:s13], [sflag:$0x1] =	stream.indirect_vreg.gather [hbm:s2], $0x80, v0, vm0, $0x38;
	[tilespmem:$0x4080] =	vst v63  }
0x25: {  	s14 =	simm.s32 $0x2480;
	s31 =	simm.s32 $0x10  }
0x26: {  	[tilespmem:s14], [sflag:$0x1] =	stream.indirect_vreg.gather [hbm:s2], $0x80, v0, vm1, $0x38;
	[tilespmem:$0x4080] =	vst v63  }
0x27: {  	s14 =	simm.s32 $0x80;
	v0 =	vld.msk [tilespmem:s31+$0x40 ss:$0x1], $0xffff  }
.LBB2_5:
0x28: {  	p0 =	sne.s32 s14, $0xC0;
	_ =	sdelay $0x4  }
0x29: {  	v1 =	vshll.u32 v0, $0x5  }
0x2a: {  	vm2 =	veq.s32 v0, $0x80000000;
	v0 =	vshll.u32 v0, $0x11;
	v1 =	vand.u32 $0x1FF80, v1  }
0x2b: {  	v0 =	vand.u32 $0x60000, v0;
	v1 =	vsel vm2, $0xFFFFFF80, v1  }
0x2c: {  	v0 =	vsel vm2, $0xFFFE0000, v0;
	v2 =	vand.u32 $0xFFFFFC00, v1  }
0x2d: {  	v1 =	vand.u32 $0x380, v1;
	v0 =	vadd.s32 v0, v2  }
0x2e: {  	v0 =	vor.u32 v1, v0  }
0x2f: {  	v0 =	vshrl.u32 v0, $0x3;
	_ =	sdelay $0x3  }
.Ltmp4:
0x30: {  	s13 =	sadd.s32 $0x800, s13;
	(pc) =	sbr.rel @p0 .LBB2_5-.Ltmp4, $4  }
0x31: {  	[tilespmem:s13], [sflag:$0x1] =	stream.indirect_vreg.gather [hbm:s2], $0x80, v0, vm0, $0x38;
	[tilespmem:$0x4080] =	vst v63  }
0x32: {  	s15 =	sshra.s32 s14, $0x2;
	s16 =	sadd.s32 $0x400, s13  }
0x33: {  	[tilespmem:s16], [sflag:$0x1] =	stream.indirect_vreg.gather [hbm:s2], $0x80, v0, vm1, $0x38;
	[tilespmem:$0x4080] =	vst v63  }
0x34: {  	s14 =	sadd.s32 $0x40, s14;
	v0 =	vld.msk [tilespmem:s15+$0x40 ss:$0x1], $0xffff  }
0x35: {  	_ =	sdelay $0x3  }
0x36: {  	v1 =	vshll.u32 v0, $0x5  }
0x37: {  	vm2 =	veq.s32 v0, $0x80000000;
	v63 =	vshll.u32 v0, $0x11;
	v1 =	vand.u32 $0x1FF80, v1  }
0x38: {  	v0 =	vand.u32 $0x60000, v63;
	v1 =	vsel vm2, $0xFFFFFF80, v1  }
0x39: {  	v0 =	vsel vm2, $0xFFFE0000, v0;
	v2 =	vand.u32 $0xFFFFFC00, v1  }
0x3a: {  	v1 =	vand.u32 $0x380, v1;
	v0 =	vadd.s32 v0, v2  }
0x3b: {  	v0 =	vor.u32 v1, v0  }
0x3c: {  	v0 =	vshrl.u32 v0, $0x3;
	_ =	sdelay $0x3  }
0x3d: {  	s13 =	sadd.s32 $0x800, s13  }
0x3e: {  	[tilespmem:s13], [sflag:$0x1] =	stream.indirect_vreg.gather [hbm:s2], $0x80, v0, vm0, $0x38;
	[tilespmem:$0x4080] =	vst v63  }
0x3f: {  	s13 =	sadd.s32 $0x400, s13  }
0x40: {  	[tilespmem:s13], [sflag:$0x1] =	stream.indirect_vreg.gather [hbm:s2], $0x80, v0, vm1, $0x38;
	[tilespmem:$0x4080] =	vst v63  }
0x41: {  	s12 =	sshll.u32 s12, $0x4;
	s14 =	simm.s32 $0x80;
	_ =	swait.ge [sflag:s4], $0x2000  }
0x42: {  	s15 =	simm.s32 $0x2480;
	s12 =	sadd.s32 s12, s7;
	[sflag:s4] =	ssyncset.done $0x0  }
0x43: {  	s16 =	sadd.s32 $0x0, s12;
	s13 =	simm.s32 $0x2080;
	[sflag:s4] =	ssyncadd.s32 $0xFFFFE000  }
.LBB2_7:
0x44: {  	[hbm:s16] =	stream.linear.scatter [tilespmem:s13], [sflag:$0x3], $0x400, $0x38;
	[tilespmem:$0x4080] =	vst v63  }
0x45: {  	s16 =	smov.u32 s14;
	s13 =	smov.u32 s15;
	p0 =	sne.s32 s14, $0x380  }
.Ltmp5:
0x46: {  	s14 =	sadd.s32 $0x80, s14;
	(pc) =	sbr.rel @p0 .LBB2_7-.Ltmp5, $2  }
0x47: {  	_ =	sdelay $0x2  }
0x48: {  	s15 =	sadd.s32 $0x400, s15;
	s16 =	sadd.s32 s16, s12  }
.Ltmp6:
0x49: {  	(pc) =	sbr.rel .LBB2_9-.Ltmp6, $2  }
0x4a: {  	_ =	sdelay $0x2  }
0x4b: {  	[hbm:s16] =	stream.linear.scatter [tilespmem:s13], [sflag:$0x3], $0x400, $0x38;
	[tilespmem:$0x4080] =	vst v63  }
.LBB2_2:
.Ltmp7:
0x4c: {  	(pc) =	sbr.rel .LBB2_10-.Ltmp7, $4  }
0x4d: {  	_ = 	snop  }
0x4e: {  	s12 =	sshrl.u32 s11, $0x3  }
0x4f: {  	s13 =	sand.u32 $0x7, s11;
	s12 =	sadd.s32 s3, s12  }
0x50: {  	[tilespmem:s9], [sflag:$0x2] =	stream.linear.gather [hbm4b:s12+s13], $0x40, $0x38;
	[tilespmem:$0x4080] =	vst v63  }
.LBB2_11:
0x51: {  	s2 =	simm.s32 $0x3  }
0x52: {  	_ =	swait.ge [sflag:s2], $0x2000  }
0x53: {  	[sflag:s2] =	ssyncset.done $0x0  }
0x54: {  	[sflag:s2] =	ssyncadd.s32 $0xFFFFE000  }
0x55: {  	_ =	sfence.sel $0x180000  }
0x56: {  	s3 =	simm.s32 $0x2;
	[bflag:$0x0] =	sbarrier.arrive $0xFFFF  }
0x57: {  	[sflag:s3] =	ssyncpa.u1 $0x1  }
0x58: {  	s31 =	simm.s32 $0x1;
	[sflag:s2] =	ssyncpa.u1 $0x1  }
0x59: {  	[sflag:s31] =	ssyncpa.u1 $0x1  }
0x5a: {  	p0 =	sne.s32 s1, $0x0;
	_ =	strace $0x90000047  }
0x5b: {  	s0 =	sadd.s32 @!p0 $0x100000, s0;
	[bflag:$0x2] =	sbarrier.arrive $0xFFFF  }
0x5c: {  	[sflag:s0] =	ssyncadd.tile.s32 @!p0 $0x1;
	_ =	shalt  }
.Lfunc_end2:
_tile_overlayer_lowered:
.L_overlay_start_2:
0x5d: {  	(tag) =	ssettag $0x2  }
0x5e: {  	s0 =	rddreg [dreg:$0x0];
	s2 =	stileid.u32  }
0x5f: {  	s1 =	rddreg [dreg:$0x1];
	p0 =	sne.s32 s2, $0x0  }
0x60: {  	s3 =	rddreg [dreg:$0x2];
	[bflag:$0x3] =	sbarrier.arrive $0xFFFF;
	s2 =	simm.s32 @!p0 $0x1C01  }
0x61: {  	[timem:s3], [sflag:s2] =	dma.local @!p0 [hbm:s0], s1  }
0x62: {  	s0 =	simm.s32 @!p0 $0x1  }
0x63: {  	_ =	swait.ge @!p0 [sflag:s0], s1  }
0x64: {  	s1 =	ssub.s32 @!p0 $0x0, s1;
	[sflag:s0] =	ssyncset.done @!p0 $0x0  }
0x65: {  	[sflag:s0] =	ssyncadd.s32 @!p0 s1  }
0x66: {  	[bflag:$0x3] =	sbarrier.arrive $0xFFFF  }
0x67: {  	_ =	shalt  }

// kernel: sparse-core-data-format-call.1.cloned.1.call-start
scs
called_computation.1_lowered:
.L_overlay_start_0:
0x0: {  	s2 =	sld [smem:$0x3FD9]  }
0x1: {  	s3 =	sld [smem:$0x3FFE];
	_ =	sdelay $0x1  }
0x2: {  	s1 =	srdreg.scid  }
0x3: {  	s0 =	sand.u32 $0x1, s1  }
0x4: {  	s18 =	sshll.u32 s0, $0xA;
	s2 =	sadd.s32 s3, s2  }
0x5: {  	s2 =	sadd.s32 s2, s18  }
0x6: {  	[smem:$0x3FC6] =	sst s2  }
0x7: {  	_ = 	snop  }
0x8: {  	(tm) =	ssettm $0x1  }
0x9: {  	s19 =	sld [smem:$0x3FFB];
	_ =	sdelay $0x3  }
0xa: {  	_ =	strace s19  }
0xb: {  	s2 =	sld [smem:$0x3FFC];
	_ =	sdelay $0x3  }
0xc: {  	_ =	strace s2  }
0xd: {  	s2 =	sld [smem:$0x3FFD];
	_ =	sdelay $0x3  }
0xe: {  	_ =	strace s2  }
0xf: {  	_ =	strace $0x8FFFFFFF  }
0x10: {  	s20 =	sld [smem:$0x3FDB];
	_ =	sdelay $0x1  }
0x11: {  	s21 =	simm.s32 $_scs_section_size  }
0x12: {  	s4 =	simm.s32 $_size__tile_overlayer_lowered;
	s5 =	simm.s32 $_tile_overlayer_lowered  }
0x13: {  	s6 =	simm.s32 $0x1BFF;
	s22 =	sshll.u32 s5, $0x1;
	s3 =	sadd.s32 s21, s20  }
0x14: {  	s23 =	simm.s32 $0x0;
	s4 =	sshll.u32 s4, $0x1;
	s5 =	sadd.s32 s22, s3  }
0x15: {  	[timem:s23], [sflag:s6] =	dma.local [hbm:s5], s4  }
0x16: {  	_ =	swait.ge [sflag:s6], s4  }
0x17: {  	s4 =	ssub.s32 $0x0, s4;
	[sflag:s6] =	ssyncset.done $0x0  }
0x18: {  	[sflag:s6] =	ssyncadd.s32 s4;
	_ =	sdelay $0x1  }
0x19: {  	s24 =	simm.s32 $0x1B8B  }
0x1a: {  	_ =	swait.ge [sflag:s24], $0x1  }
0x1b: {  	[sflag:s24] =	ssyncset.done $0x0  }
0x1c: {  	[sflag:s24] =	ssyncadd.s32 $0xFFFFFFFF  }
0x1d: {  	s4 =	sld [smem:$0x0]  }
0x1e: {  	s5 =	sand.u32 $0xFFFFFFFE, s1  }
0x1f: {  	p0 =	sne.s32 s1, s5  }
0x20: {  	s5 =	sshll.u32 @p0 s5, $0xE  }
0x21: {  	s5 =	sadd.s32 @p0 $0x11B8D, s5;
	s6 =	sshll.u32 @p0 s4, $0x11  }
0x22: {  	s5 =	sor.u32 @p0 s6, s5  }
0x23: {  	[sflag:s5] =	ssyncadd.remote.s32 @p0 $0x1;
	_ =	sdelay $0x1  }
0x24: {  	s5 =	simm.s32 @p0 $0x1B8D  }
0x25: {  	_ =	swait.eq @p0 [sflag:s5], $0x1  }
0x26: {  	[sflag:s5] =	ssyncadd.s32 @p0 $0xFFFFFFFF  }
0x27: {  	s6 =	sshll.u32 @!p0 s1, $0xE  }
0x28: {  	s6 =	sor.u32 @!p0 $0x4000, s6;
	s5 =	simm.s32 @!p0 $0x1B8D  }
0x29: {  	s4 =	sshll.u32 @!p0 s4, $0x11;
	s6 =	sadd.s32 @!p0 $0x11B8D, s6;
	_ =	swait.eq @!p0 [sflag:s5], $0x1  }
0x2a: {  	s4 =	sor.u32 @!p0 s4, s6;
	[sflag:s5] =	ssyncadd.s32 @!p0 $0xFFFFFFFF  }
0x2b: {  	s26 =	simm.s32 $0x1B8E;
	s25 =	sld [smem:$0x3FFE];
	[sflag:s4] =	ssyncadd.remote.s32 @!p0 $0x1  }
0x2c: {  	s27 =	simm.s32 $execute0_lowered;
	[smem:$0x3FD2] =	sst s26  }
0x2d: {  	s5 =	sshll.u32 s27, $0x1;
	_ =	strace $0x8000004F;
	[dreg:$0x1] =	wrdreg $0xFFFFFFFF  }
0x2e: {  	s28 =	simm.s32 $_size_execute0_lowered;
	s3 =	sadd.s32 s3, s5;
	[dreg:$0x0] =	wrdreg $0x0  }
0x2f: {  	s5 =	sshll.u32 s28, $0x1;
	[dreg:$0x2] =	wrdreg s3  }
0x30: {  	[dreg:$0x3] =	wrdreg s5  }
0x31: {  	[dreg:$0x4] =	wrdreg $0xC0  }
0x32: {  	_ =	task [dreg:s23], $0x5FFFF  }
0x33: {  	[dreg:$0x1] =	wrdreg $0xFFFFFFFF  }
0x34: {  	[dreg:$0x0] =	wrdreg $0x60  }
0x35: {  	[dreg:$0x2] =	wrdreg s25  }
0x36: {  	[dreg:$0x3] =	wrdreg $0xA  }
0x37: {  	_ =	task.clear_ibuf [dreg:s23], $0x4FFFF;
	_ =	strace $0x9000004F  }
0x38: {  	s29 =	simm.s32 $0xA;
	_ =	strace $0x80000051  }
0x39: {  	_ =	swait.ge [sflag:s29], $0x1  }
0x3a: {  	[sflag:s29] =	ssyncadd.s32 $0xFFFFFFFF  }
0x3b: {  	_ =	strace $0x90000051  }
0x3c: {  	_ =	sfence  }
0x3d: {  	s30 =	sld [smem:$0x0];
	_ =	sdelay $0x2  }
0x3e: {  	s31 =	sshll.u32 s1, $0xD;
	s1 =	sshrl.u32 s1, $0x2  }
0x3f: {  	s4 =	sand.u32 $0x4000, s31;
	s1 =	sadd.s32 s1, s30  }
0x40: {  	s0 =	sor.u32 s4, s0;
	s1 =	sshll.u32 s1, $0x11  }
0x41: {  	s0 =	sor.u32 s1, s0  }
0x42: {  	s0 =	sadd.s32 $0x8F2B, s0  }
0x43: {  	[sflag:s0] =	ssyncadd.remote.s32 $0x1  }
0x44: {  	_ =	sfence.sel $0xFFFF  }
0x45: {  	[dreg:$0x0] =	wrdreg $0xFFFFFFFF;
	(pc) =	sbr.abs _section_cstart, $3  }
0x46: {  	[dreg:$0x1] =	wrdreg $0xFFFFFFFF  }
0x47: {  	_ =	task.clear_ibuf [dreg:s23], $0x2FFFF;
	_ =	strace $0x9FFFFFFF  }
0x48: {  	(tm) =	ssettm $0x7FFFFFFF  }
0x49: {  	_ =	shalt  }
tec
execute0_lowered:
.L_overlay_start_1:
0x0: {  	(tag) =	ssettag $0x1  }
0x1: {  	s3 =	rddreg [dreg:$0x0]  }
0x2: {  	s0 =	rddreg [dreg:$0x1]  }
0x3: {  	s1 =	srdreg.scid;
	_ =	strace $0x80000050;
	s7 =	simm.s32 $0x2  }
0x4: {  	s15 =	simm.s32 $0x0;
	p0 =	por $0x0, $0x0;
	s16 =	simm.s32 $0x0  }
0x5: {  	s17 =	simm.s32 $0x0;
	s19 =	simm.s32 $0x0;
	s18 =	simm.s32 $0x0  }
0x6: {  	s20 =	simm.s32 $0x0;
	s9 =	simm.s32 $0x0;
	s10 =	simm.s32 $0x0  }
0x7: {  	s11 =	simm.s32 $0x0;
	s13 =	simm.s32 $0x0;
	s8 =	simm.s32 $0x0  }
.Ltmp0:
0x8: {  	s4 =	sshll.u32 s1, $0x4;
	s2 =	sadd.s32 $0x8B3A00, s3;
	(pc) =	sbr.rel .LBB1_1-.Ltmp0, $4  }
0x9: {  	s1 =	stileid.u32;
	s3 =	sadd.s32 $0x673A00, s3;
	s4 =	sand.u32 $0x10, s4  }
0xa: {  	s5 =	sand.u32 $0x3, s1;
	s6 =	sor.u32 s1, s4;
	s4 =	simm.s32 $0x1  }
0xb: {  	s14 =	smov.u32 s5;
	[sflag:s4] =	ssyncpa.u1 $0x0;
	s6 =	sshrl.u32 s6, $0x2  }
0xc: {  	[sflag:s7] =	ssyncpa.u1 $0x0;
	s7 =	simm.s32 $0x2000;
	s12 =	smov.u32 s6  }
.LBB1_7:
0xd: {  	s21 =	sadd.s32 $0x80, s9  }
0xe: {  	s15 =	sadd.s32 $0x40, s10;
	s22 =	smov.u32 s10;
	p2 =	sgt.s32 s21, $0xFF  }
0xf: {  	s22 =	smov.u32 @p2 s15  }
0x10: {  	s23 =	smov.u32 s11;
	s15 =	sadd.s32 $0x2, s11;
	p3 =	sgt.s32 s22, $0x3F  }
0x11: {  	s23 =	smov.u32 @p3 s15  }
0x12: {  	s24 =	smov.u32 s12;
	s15 =	sadd.s32 $0x8, s12;
	p4 =	sgt.s32 s23, $0x1  }
0x13: {  	s24 =	smov.u32 @p4 s15  }
0x14: {  	p1 =	slt.u32 s8, $0x2;
	s15 =	simm.s32 $0x1;
	p5 =	sgt.s32 s24, $0x1F  }
0x15: {  	s26 =	smov.u32 s14;
	s8 =	sadd.s32 $0x1, s8;
	s15 =	simm.s32 @!p5 $0x0  }
0x16: {  	s16 =	smov.u32 s10;
	s17 =	smov.u32 s11;
	s25 =	sadd.s32 s15, s13  }
0x17: {  	s21 =	simm.s32 @p2 $0x0;
	s15 =	sadd.s32 $0x4, s14;
	p2 =	sgt.s32 s25, $0x2  }
0x18: {  	s19 =	smov.u32 s12;
	s18 =	smov.u32 s13;
	s26 =	smov.u32 @p2 s15  }
0x19: {  	s27 =	simm.s32 @!p1 $0x2;
	s25 =	simm.s32 @p2 $0x0;
	p2 =	sgt.s32 s26, $0x3  }
0x1a: {  	_ =	swait.ge @!p1 [sflag:s27], $0x4000;
	s26 =	smov.u32 @p2 s5;
	p2 =	sne.s32 s8, $0x1A  }
.Ltmp1:
0x1b: {  	s20 =	smov.u32 s14;
	[sflag:s27] =	ssyncset.done @!p1 $0x0;
	(pc) =	sbr.rel @!p2 .LBB1_8-.Ltmp1, $4  }
0x1c: {  	p0 =	por !p0, !p0;
	s22 =	simm.s32 @p3 $0x0;
	[sflag:s27] =	ssyncadd.s32 @!p1 $0xFFFFC000  }
0x1d: {  	s10 =	smov.u32 s22;
	s23 =	simm.s32 @p4 $0x0;
	s24 =	smov.u32 @p5 s6  }
0x1e: {  	s11 =	smov.u32 s23;
	s12 =	smov.u32 s24;
	s15 =	smov.u32 s9  }
0x1f: {  	s9 =	smov.u32 s21;
	s13 =	smov.u32 s25;
	s14 =	smov.u32 s26  }
.LBB1_1:
0x20: {  	p1 =	sgt.u32 s8, $0x17  }
0x21: {  	s21 =	sxor.u32 @!p1 $0xFFFFFFFF, s8  }
0x22: {  	s22 =	sshll.u32 @!p1 s10, $0x8;
	s23 =	sshll.u32 @!p1 s9, $0x3;
	s24 =	sshll.u32 @!p1 s10, $0x7  }
0x23: {  	s25 =	smul.u32 @!p1 $0x60000, s14;
	s22 =	sand.u32 @!p1 $0x3800, s22;
	s23 =	sand.u32 @!p1 $0x3C00, s23  }
0x24: {  	s26 =	sand.u32 @!p1 $0x78, s9;
	s21 =	sshll.u32 @!p1 s21, $0xE;
	s22 =	sadd.s32 @!p1 s22, s23  }
0x25: {  	s23 =	sand.u32 @!p1 $0x300, s24;
	s21 =	sand.u32 @!p1 $0x4000, s21;
	s25 =	sadd.s32 @!p1 s2, s25  }
0x26: {  	s22 =	sor.u32 @!p1 s23, s22;
	s23 =	sand.u32 @!p1 $0x80, s24;
	s24 =	sshll.u32 @!p1 s13, $0x11  }
0x27: {  	s23 =	sor.u32 @!p1 s26, s23;
	s26 =	sshll.u32 @!p1 s12, $0xC;
	s24 =	sadd.s32 @!p1 s24, s25  }
0x28: {  	s22 =	sshrl.u32 @!p1 s22, $0x3;
	s25 =	sshll.u32 @!p1 s11, $0xB;
	s24 =	sadd.s32 @!p1 s26, s24  }
0x29: {  	s23 =	sshrl.u32 @!p1 s23, $0x3;
	s24 =	sadd.s32 @!p1 s25, s24;
	s25 =	sand.u32 @!p1 $0x7, s9  }
0x2a: {  	s22 =	sand.u32 @!p1 $0x7E0, s22;
	s23 =	sadd.s32 @!p1 s23, s24;
	s24 =	sshll.u32 @!p1 s25, $0x12  }
0x2b: {  	s22 =	sadd.s32 @!p1 s22, s23;
	s23 =	sor.u32 @!p1 $0x400, s24;
	s24 =	simm.s32 @!p1 $0x800  }
0x2c: {  	[tilespmem:s21], [sflag:$0x1] =	stream.strided.gather @!p1 [hbm4b:s22+s23], $0x4000, s24, s23, $0x38;
	[tilespmem:$0x10000] =	vst v63  }
0x2d: {  	p1 =	seq.s32 s8, $0x0  }
0x2e: {  	p2 =	seq.s32 @!p1 s8, $0x19  }
0x2f: {  	p1 =	por p1, p2  }
.Ltmp2:
0x30: {  	_ = 	snop;
	(pc) =	sbr.rel @p1 .LBB1_7-.Ltmp2, $1  }
0x31: {  	_ =	sdelay $0x3  }
0x32: {  	s21 =	simm.s32 $0x1;
	_ =	swait.ge [sflag:s4], $0x4000  }
0x33: {  	s22 =	sshll.u32 s8, $0xE;
	s24 =	simm.s32 $0x0;
	s21 =	simm.s32 @!p0 $0x0  }
0x34: {  	p2 =	por $0x1, $0x1;
	[sflag:s4] =	ssyncset.done $0x0;
	s21 =	sshll.u32 s21, $0x10  }
0x35: {  	s22 =	sand.u32 $0x4000, s22;
	[sflag:s4] =	ssyncadd.s32 $0xFFFFC000;
	s23 =	sshrl.u32 s21, $0x2  }
0x36: {  	s21 =	sor.u32 $0x8000, s22;
	s22 =	sadd.s32 $0x8040, s23;
	s23 =	sadd.s32 $0x40, s23  }
.LBB1_3:
0x37: {  	s25 =	sshll.u32 s24, $0xD  }
0x38: {  	s25 =	sand.u32 $0x3FFFE000, s25  }
0x39: {  	s25 =	sadd.s32 s25, s23  }
0x3a: {  	v0 =	vmov s25;
	_ =	sdelay $0x3  }
0x3b: {  	s27 =	simm.s32 $0x0  }
0x3c: {  	v6 =	vld.idx.msk [tilespmem:v0+s27+$0x30 ss:$0x1], $0xffff  }
0x3d: {  	v7 =	vld.idx.msk [tilespmem:v0+s27+$0xFFFFFFC0 ss:$0x1], $0xffff  }
0x3e: {  	v1 =	vld.idx.msk [tilespmem:v0+s27+$0xFFFFFFD0 ss:$0x1], $0xffff  }
0x3f: {  	s31 =	sshll.u32 s24, $0x7;
	v2 =	vld.idx.msk [tilespmem:v0+s27+$0xFFFFFFE0 ss:$0x1], $0xffff  }
0x40: {  	s24 =	sand.u32 $0x3FFFFF80, s31;
	v3 =	vld.idx.msk [tilespmem:v0+s27+$0xFFFFFFF0 ss:$0x1], $0xffff  }
0x41: {  	s24 =	sadd.s32 s24, s22;
	v4 =	vld.idx.msk [tilespmem:v0+s27+$0x0 ss:$0x1], $0xffff  }
0x42: {  	v5 =	vld.idx.msk [tilespmem:v0+s27+$0x10 ss:$0x1], $0xffff;
	[tilespmem:s24+$0x30] =	vst v6  }
0x43: {  	p1 =	por p2, p2;
	s26 =	simm.s32 $0x400;
	s25 =	simm.s32 $0x80;
	[tilespmem:s24+$0xFFFFFFC0] =	vst v7;
	v6 =	vld.idx.msk [tilespmem:v0+s27+$0x20 ss:$0x1], $0xffff  }
.LBB1_4:
0x44: {  	p2 =	sne.s32 s26, $0x7E00;
	v7 =	vld.idx.msk [tilespmem:v0+s25+$0x30 ss:$0x1], $0xffff;
	[tilespmem:s24+$0xFFFFFFD0] =	vst v1  }
0x45: {  	v8 =	vld.idx.msk [tilespmem:v0+s25+$0xFFFFFFC0 ss:$0x1], $0xffff;
	[tilespmem:s24+$0xFFFFFFE0] =	vst v2  }
0x46: {  	v1 =	vld.idx.msk [tilespmem:v0+s25+$0xFFFFFFD0 ss:$0x1], $0xffff;
	[tilespmem:s24+$0xFFFFFFF0] =	vst v3  }
.Ltmp3:
0x47: {  	v2 =	vld.idx.msk [tilespmem:v0+s25+$0xFFFFFFE0 ss:$0x1], $0xffff;
	[tilespmem:s24+$0x0] =	vst v4;
	(pc) =	sbr.rel @p2 .LBB1_4-.Ltmp3, $4  }
0x48: {  	v3 =	vld.idx.msk [tilespmem:v0+s25+$0xFFFFFFF0 ss:$0x1], $0xffff;
	[tilespmem:s24+$0x10] =	vst v5  }
0x49: {  	v4 =	vld.idx.msk [tilespmem:v0+s25+$0x0 ss:$0x1], $0xffff;
	[tilespmem:s24+$0x20] =	vst v6;
	s24 =	sadd.s32 $0x100, s24  }
0x4a: {  	v5 =	vld.idx.msk [tilespmem:v0+s25+$0x10 ss:$0x1], $0xffff;
	[tilespmem:s24+$0x30] =	vst v7  }
0x4b: {  	[tilespmem:s24+$0xFFFFFFC0] =	vst v8;
	v6 =	vld.idx.msk [tilespmem:v0+s25+$0x20 ss:$0x1], $0xffff;
	s25 =	sshra.s32 s26, $0x2;
	s26 =	sadd.s32 $0x200, s26  }
0x4c: {  	_ =	sdelay $0x2  }
0x4d: {  	[tilespmem:s24+$0xFFFFFFD0] =	vst v1  }
0x4e: {  	v56 =	vld.idx.msk [tilespmem:v0+s25+$0x30 ss:$0x1], $0xffff;
	[tilespmem:s24+$0xFFFFFFE0] =	vst v2  }
0x4f: {  	v57 =	vld.idx.msk [tilespmem:v0+s25+$0xFFFFFFC0 ss:$0x1], $0xffff;
	[tilespmem:s24+$0xFFFFFFF0] =	vst v3  }
0x50: {  	v58 =	vld.idx.msk [tilespmem:v0+s25+$0xFFFFFFD0 ss:$0x1], $0xffff;
	[tilespmem:s24+$0x0] =	vst v4  }
0x51: {  	v59 =	vld.idx.msk [tilespmem:v0+s25+$0xFFFFFFE0 ss:$0x1], $0xffff;
	[tilespmem:s24+$0x10] =	vst v5  }
0x52: {  	v60 =	vld.idx.msk [tilespmem:v0+s25+$0xFFFFFFF0 ss:$0x1], $0xffff;
	s31 =	sadd.s32 $0x100, s24;
	[tilespmem:s24+$0x20] =	vst v6  }
0x53: {  	v61 =	vld.idx.msk [tilespmem:v0+s25+$0x0 ss:$0x1], $0xffff;
	[tilespmem:s31+$0x30] =	vst v56  }
0x54: {  	v62 =	vld.idx.msk [tilespmem:v0+s25+$0x10 ss:$0x1], $0xffff;
	[tilespmem:s31+$0xFFFFFFC0] =	vst v57  }
0x55: {  	v63 =	vld.idx.msk [tilespmem:v0+s25+$0x20 ss:$0x1], $0xffff;
	[tilespmem:s31+$0xFFFFFFD0] =	vst v58  }
.Ltmp4:
0x56: {  	[tilespmem:s31+$0xFFFFFFE0] =	vst v59;
	(pc) =	sbr.rel @p1 .LBB1_3-.Ltmp4, $4  }
0x57: {  	[tilespmem:s31+$0xFFFFFFF0] =	vst v60  }
0x58: {  	[tilespmem:s31+$0x0] =	vst v61  }
0x59: {  	[tilespmem:s31+$0x10] =	vst v62  }
0x5a: {  	p2 =	por $0x0, $0x0;
	s24 =	simm.s32 $0x1;
	[tilespmem:s31+$0x20] =	vst v63  }
0x5b: {  	s22 =	sshll.u32 s19, $0x8;
	s23 =	sshll.u32 s15, $0x3  }
0x5c: {  	s26 =	sshll.u32 s19, $0x7;
	s20 =	smul.u32 $0x60000, s20;
	s24 =	sand.u32 $0x78, s15  }
0x5d: {  	s18 =	sshll.u32 s18, $0x11;
	s17 =	sshll.u32 s17, $0xA;
	s16 =	sshll.u32 s16, $0xB  }
0x5e: {  	s30 =	sand.u32 $0x7, s15;
	s22 =	sand.u32 $0x1800, s22;
	s23 =	sand.u32 $0x1C00, s23  }
0x5f: {  	s27 =	sand.u32 $0x300, s26;
	s19 =	sand.u32 $0x80, s26;
	s20 =	sadd.s32 s3, s20  }
0x60: {  	s22 =	sadd.s32 s22, s23;
	s19 =	sor.u32 s19, s24;
	s18 =	sadd.s32 s18, s20  }
.Ltmp5:
0x61: {  	s22 =	sor.u32 s27, s22;
	s17 =	sadd.s32 s17, s18;
	(pc) =	sbr.rel .LBB1_7-.Ltmp5, $4  }
0x62: {  	s29 =	sshrl.u32 s19, $0x3;
	s28 =	sshrl.u32 s22, $0x3;
	s16 =	sadd.s32 s16, s17  }
0x63: {  	s15 =	sshll.u32 s30, $0x12;
	s31 =	sand.u32 $0x3E0, s28;
	s16 =	sadd.s32 s29, s16  }
0x64: {  	s15 =	sor.u32 $0x80, s15;
	s16 =	sadd.s32 s31, s16  }
0x65: {  	[hbm4b:s16+s15] =	stream.strided.scatter [tilespmem:s21], [sflag:$0x2], $0x4000, s7, s15, $0x38;
	[tilespmem:$0x10000] =	vst v63  }
.LBB1_8:
0x66: {  	_ =	sfence.sel $0x180000  }
0x67: {  	s2 =	simm.s32 $0x1;
	[bflag:$0x0] =	sbarrier.arrive $0xFFFF  }
0x68: {  	s31 =	simm.s32 $0x2;
	[sflag:s2] =	ssyncpa.u1 $0x1  }
0x69: {  	[sflag:s31] =	ssyncpa.u1 $0x1  }
0x6a: {  	p0 =	sne.s32 s1, $0x0;
	_ =	strace $0x90000050  }
0x6b: {  	s0 =	sadd.s32 @!p0 $0x100000, s0;
	[bflag:$0x2] =	sbarrier.arrive $0xFFFF  }
0x6c: {  	[sflag:s0] =	ssyncadd.tile.s32 @!p0 $0x1;
	_ =	shalt  }
.Lfunc_end1:
_tile_overlayer_lowered:
.L_overlay_start_2:
0x6d: {  	(tag) =	ssettag $0x2  }
0x6e: {  	s0 =	rddreg [dreg:$0x0];
	s2 =	stileid.u32  }
0x6f: {  	s1 =	rddreg [dreg:$0x1];
	p0 =	sne.s32 s2, $0x0  }
0x70: {  	s3 =	rddreg [dreg:$0x2];
	[bflag:$0x3] =	sbarrier.arrive $0xFFFF;
	s2 =	simm.s32 @!p0 $0x1C01  }
0x71: {  	[timem:s3], [sflag:s2] =	dma.local @!p0 [hbm:s0], s1  }
0x72: {  	s0 =	simm.s32 @!p0 $0x1  }
0x73: {  	_ =	swait.ge @!p0 [sflag:s0], s1  }
0x74: {  	s1 =	ssub.s32 @!p0 $0x0, s1;
	[sflag:s0] =	ssyncset.done @!p0 $0x0  }
0x75: {  	[sflag:s0] =	ssyncadd.s32 @!p0 s1  }
0x76: {  	[bflag:$0x3] =	sbarrier.arrive $0xFFFF  }
0x77: {  	_ =	shalt  }

// kernel: sparse-core-data-format-call.2.cloned.1.call-start
scs
called_computation.2_lowered:
.L_overlay_start_0:
0x0: {  	s2 =	sld [smem:$0x3FD9]  }
0x1: {  	s3 =	sld [smem:$0x3FFE];
	_ =	sdelay $0x1  }
0x2: {  	s1 =	srdreg.scid  }
0x3: {  	s0 =	sand.u32 $0x1, s1  }
0x4: {  	s18 =	sshll.u32 s0, $0xA;
	s2 =	sadd.s32 s3, s2  }
0x5: {  	s2 =	sadd.s32 s2, s18  }
0x6: {  	[smem:$0x3FC6] =	sst s2  }
0x7: {  	_ = 	snop  }
0x8: {  	(tm) =	ssettm $0x1  }
0x9: {  	s19 =	sld [smem:$0x3FFB];
	_ =	sdelay $0x3  }
0xa: {  	_ =	strace s19  }
0xb: {  	s2 =	sld [smem:$0x3FFC];
	_ =	sdelay $0x3  }
0xc: {  	_ =	strace s2  }
0xd: {  	s2 =	sld [smem:$0x3FFD];
	_ =	sdelay $0x3  }
0xe: {  	_ =	strace s2  }
0xf: {  	_ =	strace $0x8FFFFFFF  }
0x10: {  	s20 =	sld [smem:$0x3FDB];
	_ =	sdelay $0x1  }
0x11: {  	s21 =	simm.s32 $_scs_section_size  }
0x12: {  	s4 =	simm.s32 $_size__tile_overlayer_lowered;
	s5 =	simm.s32 $_tile_overlayer_lowered  }
0x13: {  	s6 =	simm.s32 $0x1BFF;
	s22 =	sshll.u32 s5, $0x1;
	s3 =	sadd.s32 s21, s20  }
0x14: {  	s23 =	simm.s32 $0x0;
	s4 =	sshll.u32 s4, $0x1;
	s5 =	sadd.s32 s22, s3  }
0x15: {  	[timem:s23], [sflag:s6] =	dma.local [hbm:s5], s4  }
0x16: {  	_ =	swait.ge [sflag:s6], s4  }
0x17: {  	s4 =	ssub.s32 $0x0, s4;
	[sflag:s6] =	ssyncset.done $0x0  }
0x18: {  	[sflag:s6] =	ssyncadd.s32 s4;
	_ =	sdelay $0x1  }
0x19: {  	s24 =	simm.s32 $0x1B8B  }
0x1a: {  	_ =	swait.ge [sflag:s24], $0x1  }
0x1b: {  	[sflag:s24] =	ssyncset.done $0x0  }
0x1c: {  	[sflag:s24] =	ssyncadd.s32 $0xFFFFFFFF  }
0x1d: {  	s4 =	sld [smem:$0x0]  }
0x1e: {  	s5 =	sand.u32 $0xFFFFFFFE, s1  }
0x1f: {  	p0 =	sne.s32 s1, s5  }
0x20: {  	s5 =	sshll.u32 @p0 s5, $0xE  }
0x21: {  	s5 =	sadd.s32 @p0 $0x11B8D, s5;
	s6 =	sshll.u32 @p0 s4, $0x11  }
0x22: {  	s5 =	sor.u32 @p0 s6, s5  }
0x23: {  	[sflag:s5] =	ssyncadd.remote.s32 @p0 $0x1;
	_ =	sdelay $0x1  }
0x24: {  	s5 =	simm.s32 @p0 $0x1B8D  }
0x25: {  	_ =	swait.eq @p0 [sflag:s5], $0x1  }
0x26: {  	[sflag:s5] =	ssyncadd.s32 @p0 $0xFFFFFFFF  }
0x27: {  	s6 =	sshll.u32 @!p0 s1, $0xE  }
0x28: {  	s6 =	sor.u32 @!p0 $0x4000, s6;
	s5 =	simm.s32 @!p0 $0x1B8D  }
0x29: {  	s4 =	sshll.u32 @!p0 s4, $0x11;
	s6 =	sadd.s32 @!p0 $0x11B8D, s6;
	_ =	swait.eq @!p0 [sflag:s5], $0x1  }
0x2a: {  	s4 =	sor.u32 @!p0 s4, s6;
	[sflag:s5] =	ssyncadd.s32 @!p0 $0xFFFFFFFF  }
0x2b: {  	s26 =	simm.s32 $0x1B8E;
	s25 =	sld [smem:$0x3FFE];
	[sflag:s4] =	ssyncadd.remote.s32 @!p0 $0x1  }
0x2c: {  	s27 =	simm.s32 $execute0_lowered;
	[smem:$0x3FD2] =	sst s26  }
0x2d: {  	s5 =	sshll.u32 s27, $0x1;
	_ =	strace $0x80000052;
	[dreg:$0x1] =	wrdreg $0xFFFFFFFF  }
0x2e: {  	s28 =	simm.s32 $_size_execute0_lowered;
	s3 =	sadd.s32 s3, s5;
	[dreg:$0x0] =	wrdreg $0x0  }
0x2f: {  	s5 =	sshll.u32 s28, $0x1;
	[dreg:$0x2] =	wrdreg s3  }
0x30: {  	[dreg:$0x3] =	wrdreg s5  }
0x31: {  	[dreg:$0x4] =	wrdreg $0xC0  }
0x32: {  	_ =	task [dreg:s23], $0x5FFFF  }
0x33: {  	[dreg:$0x1] =	wrdreg $0xFFFFFFFF  }
0x34: {  	[dreg:$0x0] =	wrdreg $0x60  }
0x35: {  	[dreg:$0x2] =	wrdreg s25  }
0x36: {  	[dreg:$0x3] =	wrdreg $0xB  }
0x37: {  	_ =	task.clear_ibuf [dreg:s23], $0x4FFFF;
	_ =	strace $0x90000052  }
0x38: {  	s29 =	simm.s32 $0xB;
	_ =	strace $0x80000054  }
0x39: {  	_ =	swait.ge [sflag:s29], $0x1  }
0x3a: {  	[sflag:s29] =	ssyncadd.s32 $0xFFFFFFFF  }
0x3b: {  	_ =	strace $0x90000054  }
0x3c: {  	_ =	sfence  }
0x3d: {  	s30 =	sld [smem:$0x0];
	_ =	sdelay $0x2  }
0x3e: {  	s31 =	sshll.u32 s1, $0xD;
	s1 =	sshrl.u32 s1, $0x2  }
0x3f: {  	s4 =	sand.u32 $0x4000, s31;
	s1 =	sadd.s32 s1, s30  }
0x40: {  	s0 =	sor.u32 s4, s0;
	s1 =	sshll.u32 s1, $0x11  }
0x41: {  	s0 =	sor.u32 s1, s0  }
0x42: {  	s0 =	sadd.s32 $0x8F2B, s0  }
0x43: {  	[sflag:s0] =	ssyncadd.remote.s32 $0x1  }
0x44: {  	_ =	sfence.sel $0xFFFF  }
0x45: {  	[dreg:$0x0] =	wrdreg $0xFFFFFFFF;
	(pc) =	sbr.abs _section_cstart, $3  }
0x46: {  	[dreg:$0x1] =	wrdreg $0xFFFFFFFF  }
0x47: {  	_ =	task.clear_ibuf [dreg:s23], $0x2FFFF;
	_ =	strace $0x9FFFFFFF  }
0x48: {  	(tm) =	ssettm $0x7FFFFFFF  }
0x49: {  	_ =	shalt  }
tec
execute0_lowered:
.L_overlay_start_1:
0x0: {  	(tag) =	ssettag $0x1  }
0x1: {  	s4 =	rddreg [dreg:$0x0];
	s1 =	stileid.u32  }
0x2: {  	s0 =	rddreg [dreg:$0x1];
	_ =	strace $0x80000053;
	s5 =	srdreg.scid  }
0x3: {  	s9 =	simm.s32 $0x2;
	s20 =	simm.s32 $0x0;
	p0 =	por $0x0, $0x0  }
0x4: {  	s10 =	simm.s32 $0x2000;
	s18 =	simm.s32 $0x0;
	s17 =	simm.s32 $0x0  }
0x5: {  	s19 =	simm.s32 $0x0;
	s21 =	simm.s32 $0x0;
	s13 =	simm.s32 $0x0  }
0x6: {  	s14 =	simm.s32 $0x0;
	s16 =	simm.s32 $0x0;
	s2 =	sshrl.u32 s1, $0x2  }
0x7: {  	s3 =	sadd.s32 $0xC73A00, s4;
	s5 =	sshll.u32 s5, $0x4;
	s2 =	sand.u32 $0x1, s2  }
0x8: {  	s4 =	sadd.s32 $0xA33A00, s4;
	s5 =	sand.u32 $0x10, s5;
	s6 =	ssub.s32 $0x2, s2  }
.Ltmp0:
0x9: {  	s7 =	sshrl.u32 s6, $0x1;
	s6 =	sand.u32 $0x1, s6;
	(pc) =	sbr.rel .LBB1_1-.Ltmp0, $4  }
0xa: {  	s8 =	sor.u32 s1, s5;
	s5 =	sand.u32 $0x3, s1;
	s7 =	sadd.s32 s6, s7  }
0xb: {  	s12 =	smov.u32 s2;
	s6 =	simm.s32 $0x1;
	s7 =	smul.u32 $0x18, s7  }
0xc: {  	s8 =	sshrl.u32 s8, $0x3;
	s15 =	smov.u32 s5;
	[sflag:s6] =	ssyncpa.u1 $0x0  }
0xd: {  	s11 =	smov.u32 s8;
	[sflag:s9] =	ssyncpa.u1 $0x0;
	s9 =	sor.u32 $0x1, s7  }
.LBB1_4:
0xe: {  	v5 =	vld [tilespmem:s23+$0xFFFFFFD0];
	[tilespmem:s25+$0x2040 ss:$0x81] =	vst.msk $0xffff, v2  }
0xf: {  	v58 =	vld [tilespmem:s23+$0xFFFFFFE0];
	[tilespmem:s25+$0x2850 ss:$0x81] =	vst.msk $0xffff, v3  }
0x10: {  	s26 =	sshra.s32 s26, $0x2;
	v59 =	vld [tilespmem:s23+$0xFFFFFFF0];
	[tilespmem:s25+$0x3060 ss:$0x81] =	vst.msk $0xffff, v4  }
0x11: {  	v60 =	vld [tilespmem:s23+$0x0];
	[tilespmem:s25+$0x0 ss:$0x81] =	vst.msk $0xffff, v0;
	s24 =	sadd.s32 s26, s24  }
0x12: {  	s20 =	sshll.u32 s20, $0x7;
	v61 =	vld [tilespmem:s23+$0x10];
	s21 =	smul.u32 $0x60000, s21;
	[tilespmem:s24+$0x3870 ss:$0x81] =	vst.msk $0xffff, v1  }
0x13: {  	v62 =	vld [tilespmem:s23+$0x20];
	s19 =	sshll.u32 s19, $0x11;
	s18 =	sshll.u32 s18, $0x9;
	s26 =	sshll.u32 s17, $0x3;
	[tilespmem:s24+$0x810 ss:$0x81] =	vst.msk $0xffff, v5  }
0x14: {  	v63 =	vld [tilespmem:s23+$0xFFFFFFC0];
	s28 =	sshrl.u32 s17, $0x3;
	s27 =	sand.u32 $0xC00, s20;
	s25 =	sand.u32 $0xC00, s26;
	[tilespmem:s24+$0x1020 ss:$0x81] =	vst.msk $0xffff, v58  }
0x15: {  	s20 =	sand.u32 $0x380, s20;
	s21 =	sadd.s32 s4, s21;
	s25 =	sadd.s32 s25, s27;
	[tilespmem:s24+$0x1830 ss:$0x81] =	vst.msk $0xffff, v59  }
0x16: {  	s30 =	sand.u32 $0x7, s17;
	s19 =	sadd.s32 s19, s21;
	s20 =	sor.u32 s20, s25;
	[tilespmem:s24+$0x2040 ss:$0x81] =	vst.msk $0xffff, v60  }
0x17: {  	s29 =	sand.u32 $0xF, s28;
	s18 =	sadd.s32 s18, s19;
	s20 =	sshrl.u32 s20, $0x3;
	[tilespmem:s24+$0x2850 ss:$0x81] =	vst.msk $0xffff, v61  }
0x18: {  	s17 =	sshll.u32 s30, $0x12;
	[tilespmem:s24+$0x3060 ss:$0x81] =	vst.msk $0xffff, v62;
	s18 =	sadd.s32 s29, s18;
	s31 =	sand.u32 $0x1F0, s20  }
0x19: {  	s17 =	sor.u32 $0x80, s17;
	[tilespmem:s24+$0x0 ss:$0x81] =	vst.msk $0xffff, v63;
	s18 =	sadd.s32 s31, s18  }
0x1a: {  	[hbm4b:s18+s17] =	stream.strided.scatter [tilespmem:s22], [sflag:$0x2], $0x4000, s10, s17, $0x20;
	[tilespmem:$0x10100] =	vst v63  }
.LBB1_5:
0x1b: {  	s22 =	sadd.s32 $0x4, s11  }
0x1c: {  	s17 =	sadd.s32 $0x2, s12;
	s23 =	smov.u32 s12;
	p2 =	sgt.s32 s22, $0x1F  }
0x1d: {  	s23 =	smov.u32 @p2 s17  }
0x1e: {  	s24 =	smov.u32 s13;
	s17 =	sadd.s32 $0x80, s13;
	p3 =	sgt.s32 s23, $0x1  }
0x1f: {  	s24 =	smov.u32 @p3 s17  }
0x20: {  	s17 =	simm.s32 $0x1;
	p4 =	sgt.s32 s24, $0x7F  }
0x21: {  	s17 =	simm.s32 @!p4 $0x0  }
0x22: {  	p1 =	slt.u32 s16, $0x2;
	s26 =	smov.u32 s15;
	s25 =	sadd.s32 s17, s14  }
0x23: {  	s20 =	smov.u32 s11;
	s17 =	sadd.s32 $0x4, s15;
	p5 =	sgt.s32 s25, $0x2  }
0x24: {  	s18 =	smov.u32 s12;
	s19 =	smov.u32 s14;
	s26 =	smov.u32 @p5 s17  }
0x25: {  	s21 =	smov.u32 s15;
	s22 =	smov.u32 @p2 s8;
	p2 =	sgt.s32 s26, $0x3  }
0x26: {  	s27 =	simm.s32 @!p1 $0x2;
	s26 =	smov.u32 @p2 s5;
	p2 =	sne.s32 s16, s9  }
.Ltmp1:
0x27: {  	p0 =	por !p0, !p0;
	_ =	swait.ge @!p1 [sflag:s27], $0x4000;
	(pc) =	sbr.rel @!p2 .LBB1_6-.Ltmp1, $4  }
0x28: {  	[sflag:s27] =	ssyncset.done @!p1 $0x0;
	s11 =	smov.u32 s22;
	s23 =	smov.u32 @p3 s2  }
0x29: {  	[sflag:s27] =	ssyncadd.s32 @!p1 $0xFFFFC000;
	s12 =	smov.u32 s23;
	s24 =	simm.s32 @p4 $0x0  }
0x2a: {  	s25 =	simm.s32 @p5 $0x0;
	s17 =	smov.u32 s13;
	s13 =	smov.u32 s24  }
0x2b: {  	s14 =	smov.u32 s25;
	s16 =	sadd.s32 $0x1, s16;
	s15 =	smov.u32 s26  }
.LBB1_1:
0x2c: {  	p1 =	sge.u32 s16, s7  }
0x2d: {  	s22 =	smul.u32 @!p1 $0x60000, s15  }
0x2e: {  	s31 =	sadd.s32 $0xFFFFFFFF, s16  }
0x2f: {  	s23 =	sxor.u32 @!p1 $0xFFFFFFFF, s16;
	s24 =	sshll.u32 @!p1 s14, $0x11;
	s22 =	sadd.s32 @!p1 s3, s22  }
0x30: {  	s25 =	sshll.u32 @!p1 s13, $0xA;
	s26 =	sshll.u32 @!p1 s11, $0x4;
	s22 =	sadd.s32 @!p1 s24, s22  }
0x31: {  	s23 =	sshll.u32 @!p1 s23, $0xE;
	s24 =	sshll.u32 @!p1 s12, $0x9;
	s22 =	sadd.s32 @!p1 s25, s22  }
0x32: {  	s23 =	sand.u32 @!p1 $0x4000, s23;
	s25 =	sand.u32 @!p1 $0x1F0, s26;
	s22 =	sadd.s32 @!p1 s24, s22  }
0x33: {  	s24 =	simm.s32 @!p1 $0x80;
	s22 =	sadd.s32 @!p1 s25, s22;
	s25 =	simm.s32 @!p1 $0x2000  }
0x34: {  	[tilespmem:s23], [sflag:$0x1] =	stream.strided.gather @!p1 [hbm4b:s22+s24], $0x4000, s25, s24, $0x38;
	[tilespmem:$0x10100] =	vst v63  }
0x35: {  	p1 =	sge.u32 s31, s7  }
.Ltmp2:
0x36: {  	_ = 	snop;
	(pc) =	sbr.rel @p1 .LBB1_5-.Ltmp2, $1  }
0x37: {  	_ =	sdelay $0x3  }
0x38: {  	s22 =	simm.s32 $0x1  }
0x39: {  	_ =	swait.ge [sflag:s6], $0x4000;
	s22 =	simm.s32 @!p0 $0x0  }
0x3a: {  	[sflag:s6] =	ssyncset.done $0x0;
	s23 =	sshll.u32 s22, $0xE  }
0x3b: {  	[sflag:s6] =	ssyncadd.s32 $0xFFFFC000;
	s23 =	sor.u32 $0x40, s23  }
0x3c: {  	s22 =	smul.u32 $0x10200, s22;
	v0 =	vld [tilespmem:s23+$0x30]  }
0x3d: {  	v1 =	vld [tilespmem:s23+$0xFFFFFFD0]  }
0x3e: {  	s22 =	sshrl.u32 s22, $0x2;
	v5 =	vld [tilespmem:s23+$0xFFFFFFE0]  }
0x3f: {  	v6 =	vld [tilespmem:s23+$0xFFFFFFF0];
	s24 =	sor.u32 $0x8000, s22  }
0x40: {  	s31 =	sand.u32 $0x1, s16;
	v2 =	vld [tilespmem:s23+$0x0];
	s25 =	sadd.s32 $0x0, s24  }
0x41: {  	v3 =	vld [tilespmem:s23+$0x10];
	s22 =	smul.u32 $0x10200, s31;
	[tilespmem:s25+$0x3870 ss:$0x81] =	vst.msk $0xffff, v0  }
0x42: {  	v4 =	vld [tilespmem:s23+$0x20];
	[tilespmem:s25+$0x810 ss:$0x81] =	vst.msk $0xffff, v1  }
0x43: {  	s22 =	sshrl.u32 s22, $0x2;
	v0 =	vld [tilespmem:s23+$0xFFFFFFC0];
	[tilespmem:s25+$0x1020 ss:$0x81] =	vst.msk $0xffff, v5;
	s23 =	sadd.s32 $0x80, s23  }
0x44: {  	s26 =	simm.s32 $0x4;
	s27 =	simm.s32 $0x8;
	s22 =	sor.u32 $0x8000, s22;
	[tilespmem:s25+$0x1830 ss:$0x81] =	vst.msk $0xffff, v6;
	v1 =	vld [tilespmem:s23+$0x30]  }
.LBB1_3:
0x45: {  	p1 =	sne.s32 s27, $0x1FC;
	v5 =	vld [tilespmem:s23+$0xFFFFFFD0];
	[tilespmem:s25+$0x2040 ss:$0x81] =	vst.msk $0xffff, v2  }
0x46: {  	v6 =	vld [tilespmem:s23+$0xFFFFFFE0];
	[tilespmem:s25+$0x2850 ss:$0x81] =	vst.msk $0xffff, v3  }
0x47: {  	s28 =	sshra.s32 s26, $0x2;
	s26 =	smov.u32 s27;
	v7 =	vld [tilespmem:s23+$0xFFFFFFF0];
	[tilespmem:s25+$0x3060 ss:$0x81] =	vst.msk $0xffff, v4  }
.Ltmp3:
0x48: {  	v2 =	vld [tilespmem:s23+$0x0];
	[tilespmem:s25+$0x0 ss:$0x81] =	vst.msk $0xffff, v0;
	s25 =	sadd.s32 s28, s24;
	(pc) =	sbr.rel @p1 .LBB1_3-.Ltmp3, $4  }
0x49: {  	v3 =	vld [tilespmem:s23+$0x10];
	[tilespmem:s25+$0x3870 ss:$0x81] =	vst.msk $0xffff, v1  }
0x4a: {  	[tilespmem:s25+$0x810 ss:$0x81] =	vst.msk $0xffff, v5;
	v4 =	vld [tilespmem:s23+$0x20]  }
0x4b: {  	v0 =	vld [tilespmem:s23+$0xFFFFFFC0];
	[tilespmem:s25+$0x1020 ss:$0x81] =	vst.msk $0xffff, v6;
	s23 =	sadd.s32 $0x80, s23  }
0x4c: {  	s27 =	sadd.s32 $0x4, s27;
	v1 =	vld [tilespmem:s23+$0x30];
	[tilespmem:s25+$0x1830 ss:$0x81] =	vst.msk $0xffff, v7  }
.Ltmp4:
0x4d: {  	_ = 	snop;
	(pc) =	sbr.rel .LBB1_4-.Ltmp4, $1  }
0x4e: {  	_ =	sdelay $0x3  }
.LBB1_6:
0x4f: {  	_ =	sfence.sel $0x180000  }
0x50: {  	s2 =	simm.s32 $0x1;
	[bflag:$0x0] =	sbarrier.arrive $0xFFFF  }
0x51: {  	s31 =	simm.s32 $0x2;
	[sflag:s2] =	ssyncpa.u1 $0x1  }
0x52: {  	[sflag:s31] =	ssyncpa.u1 $0x1  }
0x53: {  	p0 =	sne.s32 s1, $0x0;
	_ =	strace $0x90000053  }
0x54: {  	s0 =	sadd.s32 @!p0 $0x100000, s0;
	[bflag:$0x2] =	sbarrier.arrive $0xFFFF  }
0x55: {  	[sflag:s0] =	ssyncadd.tile.s32 @!p0 $0x1;
	_ =	shalt  }
.Lfunc_end1:
_tile_overlayer_lowered:
.L_overlay_start_2:
0x56: {  	(tag) =	ssettag $0x2  }
0x57: {  	s0 =	rddreg [dreg:$0x0];
	s2 =	stileid.u32  }
0x58: {  	s1 =	rddreg [dreg:$0x1];
	p0 =	sne.s32 s2, $0x0  }
0x59: {  	s3 =	rddreg [dreg:$0x2];
	[bflag:$0x3] =	sbarrier.arrive $0xFFFF;
	s2 =	simm.s32 @!p0 $0x1C01  }
0x5a: {  	[timem:s3], [sflag:s2] =	dma.local @!p0 [hbm:s0], s1  }
0x5b: {  	s0 =	simm.s32 @!p0 $0x1  }
0x5c: {  	_ =	swait.ge @!p0 [sflag:s0], s1  }
0x5d: {  	s1 =	ssub.s32 @!p0 $0x0, s1;
	[sflag:s0] =	ssyncset.done @!p0 $0x0  }
0x5e: {  	[sflag:s0] =	ssyncadd.s32 @!p0 s1  }
0x5f: {  	[bflag:$0x3] =	sbarrier.arrive $0xFFFF  }
0x60: {  	_ =	shalt  }

// kernel: sparse-core-data-format-call.cloned.1.call-start
scs
called_computation_lowered:
.L_overlay_start_0:
0x0: {  	s2 =	sld [smem:$0x3FD9]  }
0x1: {  	s3 =	sld [smem:$0x3FFE];
	_ =	sdelay $0x1  }
0x2: {  	s1 =	srdreg.scid  }
0x3: {  	s0 =	sand.u32 $0x1, s1  }
0x4: {  	s18 =	sshll.u32 s0, $0xA;
	s2 =	sadd.s32 s3, s2  }
0x5: {  	s2 =	sadd.s32 s2, s18  }
0x6: {  	[smem:$0x3FC6] =	sst s2  }
0x7: {  	_ = 	snop  }
0x8: {  	(tm) =	ssettm $0x1  }
0x9: {  	s19 =	sld [smem:$0x3FFB];
	_ =	sdelay $0x3  }
0xa: {  	_ =	strace s19  }
0xb: {  	s2 =	sld [smem:$0x3FFC];
	_ =	sdelay $0x3  }
0xc: {  	_ =	strace s2  }
0xd: {  	s2 =	sld [smem:$0x3FFD];
	_ =	sdelay $0x3  }
0xe: {  	_ =	strace s2  }
0xf: {  	_ =	strace $0x8FFFFFFF  }
0x10: {  	s20 =	sld [smem:$0x3FDB];
	_ =	sdelay $0x1  }
0x11: {  	s21 =	simm.s32 $_scs_section_size  }
0x12: {  	s4 =	simm.s32 $_size__tile_overlayer_lowered;
	s5 =	simm.s32 $_tile_overlayer_lowered  }
0x13: {  	s6 =	simm.s32 $0x1BFF;
	s22 =	sshll.u32 s5, $0x1;
	s3 =	sadd.s32 s21, s20  }
0x14: {  	s23 =	simm.s32 $0x0;
	s4 =	sshll.u32 s4, $0x1;
	s5 =	sadd.s32 s22, s3  }
0x15: {  	[timem:s23], [sflag:s6] =	dma.local [hbm:s5], s4  }
0x16: {  	_ =	swait.ge [sflag:s6], s4  }
0x17: {  	s4 =	ssub.s32 $0x0, s4;
	[sflag:s6] =	ssyncset.done $0x0  }
0x18: {  	[sflag:s6] =	ssyncadd.s32 s4;
	_ =	sdelay $0x1  }
0x19: {  	s24 =	simm.s32 $0x1B8B  }
0x1a: {  	_ =	swait.ge [sflag:s24], $0x1  }
0x1b: {  	[sflag:s24] =	ssyncset.done $0x0  }
0x1c: {  	[sflag:s24] =	ssyncadd.s32 $0xFFFFFFFF  }
0x1d: {  	s4 =	sld [smem:$0x0]  }
0x1e: {  	s5 =	sand.u32 $0xFFFFFFFE, s1  }
0x1f: {  	p0 =	sne.s32 s1, s5  }
0x20: {  	s5 =	sshll.u32 @p0 s5, $0xE  }
0x21: {  	s5 =	sadd.s32 @p0 $0x11B8D, s5;
	s6 =	sshll.u32 @p0 s4, $0x11  }
0x22: {  	s5 =	sor.u32 @p0 s6, s5  }
0x23: {  	[sflag:s5] =	ssyncadd.remote.s32 @p0 $0x1;
	_ =	sdelay $0x1  }
0x24: {  	s5 =	simm.s32 @p0 $0x1B8D  }
0x25: {  	_ =	swait.eq @p0 [sflag:s5], $0x1  }
0x26: {  	[sflag:s5] =	ssyncadd.s32 @p0 $0xFFFFFFFF  }
0x27: {  	s6 =	sshll.u32 @!p0 s1, $0xE  }
0x28: {  	s6 =	sor.u32 @!p0 $0x4000, s6;
	s5 =	simm.s32 @!p0 $0x1B8D  }
0x29: {  	s4 =	sshll.u32 @!p0 s4, $0x11;
	s6 =	sadd.s32 @!p0 $0x11B8D, s6;
	_ =	swait.eq @!p0 [sflag:s5], $0x1  }
0x2a: {  	s4 =	sor.u32 @!p0 s4, s6;
	[sflag:s5] =	ssyncadd.s32 @!p0 $0xFFFFFFFF  }
0x2b: {  	s26 =	simm.s32 $0x1B8E;
	s25 =	sld [smem:$0x3FFE];
	[sflag:s4] =	ssyncadd.remote.s32 @!p0 $0x1  }
0x2c: {  	s27 =	simm.s32 $execute0_lowered;
	[smem:$0x3FD2] =	sst s26  }
0x2d: {  	s5 =	sshll.u32 s27, $0x1;
	_ =	strace $0x8000004C;
	[dreg:$0x1] =	wrdreg $0xFFFFFFFF  }
0x2e: {  	s28 =	simm.s32 $_size_execute0_lowered;
	s3 =	sadd.s32 s3, s5;
	[dreg:$0x0] =	wrdreg $0x0  }
0x2f: {  	s5 =	sshll.u32 s28, $0x1;
	[dreg:$0x2] =	wrdreg s3  }
0x30: {  	[dreg:$0x3] =	wrdreg s5  }
0x31: {  	[dreg:$0x4] =	wrdreg $0xC0  }
0x32: {  	_ =	task [dreg:s23], $0x5FFFF  }
0x33: {  	[dreg:$0x1] =	wrdreg $0xFFFFFFFF  }
0x34: {  	[dreg:$0x0] =	wrdreg $0x60  }
0x35: {  	[dreg:$0x2] =	wrdreg s25  }
0x36: {  	[dreg:$0x3] =	wrdreg $0x9  }
0x37: {  	_ =	task.clear_ibuf [dreg:s23], $0x4FFFF;
	_ =	strace $0x9000004C  }
0x38: {  	s29 =	simm.s32 $0x9;
	_ =	strace $0x8000004E  }
0x39: {  	_ =	swait.ge [sflag:s29], $0x1  }
0x3a: {  	[sflag:s29] =	ssyncadd.s32 $0xFFFFFFFF  }
0x3b: {  	_ =	strace $0x9000004E  }
0x3c: {  	_ =	sfence  }
0x3d: {  	s30 =	sld [smem:$0x0];
	_ =	sdelay $0x2  }
0x3e: {  	s31 =	sshll.u32 s1, $0xD;
	s1 =	sshrl.u32 s1, $0x2  }
0x3f: {  	s4 =	sand.u32 $0x4000, s31;
	s1 =	sadd.s32 s1, s30  }
0x40: {  	s0 =	sor.u32 s4, s0;
	s1 =	sshll.u32 s1, $0x11  }
0x41: {  	s0 =	sor.u32 s1, s0  }
0x42: {  	s0 =	sadd.s32 $0x8F2B, s0  }
0x43: {  	[sflag:s0] =	ssyncadd.remote.s32 $0x1  }
0x44: {  	_ =	sfence.sel $0xFFFF  }
0x45: {  	[dreg:$0x0] =	wrdreg $0xFFFFFFFF;
	(pc) =	sbr.abs _section_cstart, $3  }
0x46: {  	[dreg:$0x1] =	wrdreg $0xFFFFFFFF  }
0x47: {  	_ =	task.clear_ibuf [dreg:s23], $0x2FFFF;
	_ =	strace $0x9FFFFFFF  }
0x48: {  	(tm) =	ssettm $0x7FFFFFFF  }
0x49: {  	_ =	shalt  }
tec
execute0_lowered:
.L_overlay_start_1:
0x0: {  	(tag) =	ssettag $0x1  }
0x1: {  	s1 =	srdreg.scid  }
0x2: {  	s0 =	stileid.u32;
	s4 =	rddreg [dreg:$0x0];
	s5 =	simm.s32 $0x1  }
0x3: {  	_ =	strace $0x8000004D;
	s8 =	simm.s32 $0x2;
	s1 =	sshll.u32 s1, $0x4  }
0x4: {  	s18 =	simm.s32 $0x0;
	s9 =	simm.s32 $0x4000;
	s1 =	sor.u32 s0, s1  }
0x5: {  	s10 =	simm.s32 $0x0;
	s19 =	simm.s32 $0x0;
	s1 =	sshrl.u32 s1, $0x1  }
0x6: {  	s20 =	simm.s32 $0x0;
	s22 =	simm.s32 $0x0;
	s2 =	sand.u32 $0xE, s1  }
0x7: {  	s21 =	simm.s32 $0x0;
	s23 =	simm.s32 $0x0;
	s3 =	ssub.s32 $0x20, s2  }
0x8: {  	s11 =	simm.s32 $0x0;
	s12 =	simm.s32 $0x0;
	s31 =	sand.u32 $0xE, s3  }
0x9: {  	s13 =	simm.s32 $0x0;
	s15 =	simm.s32 $0x0;
	p0 =	sne.s32 s31, $0x0  }
.Ltmp0:
0xa: {  	s6 =	sshrl.u32 s3, $0x4;
	s5 =	simm.s32 @!p0 $0x0;
	(pc) =	sbr.rel .LBB1_1-.Ltmp0, $4  }
0xb: {  	s17 =	simm.s32 $0x0;
	s7 =	sand.u32 $0x3, s0;
	s6 =	sadd.s32 s5, s6  }
0xc: {  	s16 =	smov.u32 s7;
	s5 =	simm.s32 $0x1;
	s6 =	smul.u32 $0xC, s6  }
0xd: {  	s14 =	smov.u32 s2;
	s3 =	sadd.s32 $0x4F3A00, s4;
	[sflag:s5] =	ssyncpa.u1 $0x0  }
0xe: {  	s4 =	sadd.s32 $0x2B3A00, s4;
	[sflag:s8] =	ssyncpa.u1 $0x0;
	s8 =	sor.u32 $0x1, s6  }
.LBB1_9:
0xf: {  	s1 =	sadd.s32 $0x80, s11  }
0x10: {  	s18 =	sadd.s32 $0x20, s12;
	s24 =	smov.u32 s12;
	p1 =	sgt.s32 s1, $0x1FF  }
0x11: {  	s24 =	smov.u32 @p1 s18  }
0x12: {  	s25 =	smov.u32 s13;
	s18 =	sadd.s32 $0x2, s13;
	p2 =	sgt.s32 s24, $0x1F  }
0x13: {  	s25 =	smov.u32 @p2 s18  }
0x14: {  	s26 =	smov.u32 s14;
	s18 =	sadd.s32 $0x10, s14;
	p3 =	sgt.s32 s25, $0x1  }
0x15: {  	s26 =	smov.u32 @p3 s18  }
0x16: {  	p0 =	slt.u32 s17, $0x2;
	s18 =	simm.s32 $0x1;
	p4 =	sgt.s32 s26, $0x1F  }
0x17: {  	s28 =	smov.u32 s16;
	s19 =	smov.u32 s12;
	s18 =	simm.s32 @!p4 $0x0  }
0x18: {  	s20 =	smov.u32 s13;
	s22 =	smov.u32 s14;
	s27 =	sadd.s32 s18, s15  }
0x19: {  	s1 =	simm.s32 @p1 $0x0;
	s18 =	sadd.s32 $0x4, s16;
	p1 =	sgt.s32 s27, $0x2  }
0x1a: {  	s21 =	smov.u32 s15;
	s23 =	smov.u32 s16;
	s28 =	smov.u32 @p1 s18  }
0x1b: {  	s29 =	simm.s32 @!p0 $0x2;
	s27 =	simm.s32 @p1 $0x0;
	p1 =	sgt.s32 s28, $0x3  }
0x1c: {  	_ =	swait.ge @!p0 [sflag:s29], $0x4000;
	s28 =	smov.u32 @p1 s7;
	p1 =	sne.s32 s17, s8  }
.Ltmp1:
0x1d: {  	s10 =	sadd.s32 $0x4000, s10;
	[sflag:s29] =	ssyncset.done @!p0 $0x0;
	(pc) =	sbr.rel @!p1 .LBB1_10-.Ltmp1, $4  }
0x1e: {  	s24 =	simm.s32 @p2 $0x0;
	[sflag:s29] =	ssyncadd.s32 @!p0 $0xFFFFC000;
	s25 =	simm.s32 @p3 $0x0  }
0x1f: {  	s12 =	smov.u32 s24;
	s13 =	smov.u32 s25;
	s26 =	smov.u32 @p4 s2  }
0x20: {  	s14 =	smov.u32 s26;
	s18 =	smov.u32 s11;
	s11 =	smov.u32 s1  }
0x21: {  	s15 =	smov.u32 s27;
	s17 =	sadd.s32 $0x1, s17;
	s16 =	smov.u32 s28  }
.LBB1_1:
0x22: {  	p0 =	sge.u32 s17, s6  }
0x23: {  	s31 =	sadd.s32 $0xFFFFFFFF, s17;
	s24 =	sxor.u32 @!p0 $0xFFFFFFFF, s17  }
0x24: {  	s25 =	sshll.u32 @!p0 s12, $0x9;
	s26 =	sshll.u32 @!p0 s11, $0x3;
	s27 =	sshll.u32 @!p0 s12, $0x7  }
0x25: {  	s28 =	smul.u32 @!p0 $0x60000, s16;
	s25 =	sand.u32 @!p0 $0x3000, s25;
	s26 =	sand.u32 @!p0 $0x3C00, s26  }
0x26: {  	s29 =	sand.u32 @!p0 $0x78, s11;
	s24 =	sshll.u32 @!p0 s24, $0xE;
	s25 =	sadd.s32 @!p0 s25, s26  }
0x27: {  	s26 =	sand.u32 @!p0 $0x200, s27;
	s24 =	sand.u32 @!p0 $0x4000, s24;
	s28 =	sadd.s32 @!p0 s3, s28  }
0x28: {  	s25 =	sor.u32 @!p0 s26, s25;
	s26 =	sand.u32 @!p0 $0x180, s27;
	s27 =	sshll.u32 @!p0 s15, $0x11  }
0x29: {  	s26 =	sor.u32 @!p0 s29, s26;
	s29 =	sshll.u32 @!p0 s14, $0xC;
	s27 =	sadd.s32 @!p0 s27, s28  }
0x2a: {  	s25 =	sshrl.u32 @!p0 s25, $0x3;
	s28 =	sshll.u32 @!p0 s13, $0xB;
	s27 =	sadd.s32 @!p0 s29, s27  }
0x2b: {  	s26 =	sshrl.u32 @!p0 s26, $0x3;
	s27 =	sadd.s32 @!p0 s28, s27;
	s28 =	sand.u32 @!p0 $0x7, s11  }
0x2c: {  	s25 =	sand.u32 @!p0 $0x7C0, s25;
	s26 =	sadd.s32 @!p0 s26, s27;
	s27 =	sshll.u32 @!p0 s28, $0x12  }
0x2d: {  	s25 =	sadd.s32 @!p0 s25, s26;
	s26 =	sor.u32 @!p0 $0x400, s27;
	s27 =	simm.s32 @!p0 $0x1000  }
0x2e: {  	[tilespmem:s24], [sflag:$0x1] =	stream.strided.gather @!p0 [hbm4b:s25+s26], $0x4000, s27, s26, $0x38;
	[tilespmem:$0x10000] =	vst v63  }
0x2f: {  	p0 =	sge.u32 s31, s6  }
.Ltmp2:
0x30: {  	_ = 	snop;
	(pc) =	sbr.rel @p0 .LBB1_9-.Ltmp2, $1  }
0x31: {  	_ =	sdelay $0x3  }
0x32: {  	s24 =	sshll.u32 s10, $0x2  }
0x33: {  	_ =	swait.ge [sflag:s5], $0x4000;
	s25 =	sshll.u32 s17, $0xE;
	s27 =	simm.s32 $0x0  }
0x34: {  	p1 =	por $0x1, $0x1;
	s24 =	sand.u32 $0x10000, s24;
	[sflag:s5] =	ssyncset.done $0x0  }
0x35: {  	s25 =	sand.u32 $0x4000, s25;
	s26 =	sshrl.u32 s24, $0x2;
	[sflag:s5] =	ssyncadd.s32 $0xFFFFC000  }
0x36: {  	s24 =	sor.u32 $0x8000, s25;
	s25 =	sadd.s32 $0x8040, s26;
	s26 =	sadd.s32 $0x40, s26  }
.LBB1_3:
0x37: {  	s28 =	sshll.u32 s27, $0x7  }
0x38: {  	s29 =	sshll.u32 s27, $0xD;
	s28 =	sand.u32 $0x3FFFFF80, s28  }
0x39: {  	p0 =	por p1, p1;
	s27 =	sadd.s32 s28, s25;
	s28 =	sand.u32 $0x3FFFE000, s29  }
0x3a: {  	p2 =	por $0x1, $0x1;
	s29 =	simm.s32 $0x0;
	s28 =	sadd.s32 s28, s26  }
.LBB1_4:
0x3b: {  	s30 =	sshll.u32 s29, $0xC  }
0x3c: {  	s30 =	sand.u32 $0x3FFFF000, s30  }
0x3d: {  	s30 =	sadd.s32 s30, s28  }
0x3e: {  	v0 =	vmov s30;
	_ =	sdelay $0x3  }
0x3f: {  	s1 =	simm.s32 $0x0  }
0x40: {  	v6 =	vld.idx.msk [tilespmem:v0+s1+$0x30 ss:$0x1], $0xffff  }
0x41: {  	v7 =	vld.idx.msk [tilespmem:v0+s1+$0xFFFFFFC0 ss:$0x1], $0xffff  }
0x42: {  	v1 =	vld.idx.msk [tilespmem:v0+s1+$0xFFFFFFD0 ss:$0x1], $0xffff  }
0x43: {  	s29 =	sshll.u32 s29, $0x8;
	v2 =	vld.idx.msk [tilespmem:v0+s1+$0xFFFFFFE0 ss:$0x1], $0xffff  }
0x44: {  	s29 =	sand.u32 $0x3FFFFF00, s29;
	v3 =	vld.idx.msk [tilespmem:v0+s1+$0xFFFFFFF0 ss:$0x1], $0xffff  }
0x45: {  	s29 =	sadd.s32 s29, s27;
	v4 =	vld.idx.msk [tilespmem:v0+s1+$0x0 ss:$0x1], $0xffff  }
0x46: {  	v5 =	vld.idx.msk [tilespmem:v0+s1+$0x10 ss:$0x1], $0xffff;
	[tilespmem:s29+$0x30] =	vst v6  }
0x47: {  	p1 =	por p2, p2;
	s31 =	simm.s32 $0x400;
	s30 =	simm.s32 $0x80;
	[tilespmem:s29+$0xFFFFFFC0] =	vst v7;
	v6 =	vld.idx.msk [tilespmem:v0+s1+$0x20 ss:$0x1], $0xffff  }
.LBB1_5:
0x48: {  	p2 =	sne.s32 s31, $0x3E00;
	v7 =	vld.idx.msk [tilespmem:v0+s30+$0x30 ss:$0x1], $0xffff;
	[tilespmem:s29+$0xFFFFFFD0] =	vst v1  }
0x49: {  	v8 =	vld.idx.msk [tilespmem:v0+s30+$0xFFFFFFC0 ss:$0x1], $0xffff;
	[tilespmem:s29+$0xFFFFFFE0] =	vst v2  }
0x4a: {  	v1 =	vld.idx.msk [tilespmem:v0+s30+$0xFFFFFFD0 ss:$0x1], $0xffff;
	[tilespmem:s29+$0xFFFFFFF0] =	vst v3  }
.Ltmp3:
0x4b: {  	v2 =	vld.idx.msk [tilespmem:v0+s30+$0xFFFFFFE0 ss:$0x1], $0xffff;
	[tilespmem:s29+$0x0] =	vst v4;
	(pc) =	sbr.rel @p2 .LBB1_5-.Ltmp3, $4  }
0x4c: {  	v3 =	vld.idx.msk [tilespmem:v0+s30+$0xFFFFFFF0 ss:$0x1], $0xffff;
	[tilespmem:s29+$0x10] =	vst v5  }
0x4d: {  	v4 =	vld.idx.msk [tilespmem:v0+s30+$0x0 ss:$0x1], $0xffff;
	[tilespmem:s29+$0x20] =	vst v6;
	s29 =	sadd.s32 $0x200, s29  }
0x4e: {  	v5 =	vld.idx.msk [tilespmem:v0+s30+$0x10 ss:$0x1], $0xffff;
	[tilespmem:s29+$0x30] =	vst v7  }
0x4f: {  	[tilespmem:s29+$0xFFFFFFC0] =	vst v8;
	v6 =	vld.idx.msk [tilespmem:v0+s30+$0x20 ss:$0x1], $0xffff;
	s30 =	sshra.s32 s31, $0x2;
	s31 =	sadd.s32 $0x200, s31  }
0x50: {  	_ =	sdelay $0x2  }
0x51: {  	[tilespmem:s29+$0xFFFFFFD0] =	vst v1  }
0x52: {  	v56 =	vld.idx.msk [tilespmem:v0+s30+$0x30 ss:$0x1], $0xffff;
	[tilespmem:s29+$0xFFFFFFE0] =	vst v2  }
0x53: {  	v57 =	vld.idx.msk [tilespmem:v0+s30+$0xFFFFFFC0 ss:$0x1], $0xffff;
	[tilespmem:s29+$0xFFFFFFF0] =	vst v3  }
0x54: {  	v58 =	vld.idx.msk [tilespmem:v0+s30+$0xFFFFFFD0 ss:$0x1], $0xffff;
	[tilespmem:s29+$0x0] =	vst v4  }
0x55: {  	v59 =	vld.idx.msk [tilespmem:v0+s30+$0xFFFFFFE0 ss:$0x1], $0xffff;
	[tilespmem:s29+$0x10] =	vst v5  }
0x56: {  	v60 =	vld.idx.msk [tilespmem:v0+s30+$0xFFFFFFF0 ss:$0x1], $0xffff;
	s1 =	sadd.s32 $0x200, s29;
	[tilespmem:s29+$0x20] =	vst v6  }
0x57: {  	v61 =	vld.idx.msk [tilespmem:v0+s30+$0x0 ss:$0x1], $0xffff;
	[tilespmem:s1+$0x30] =	vst v56  }
0x58: {  	v62 =	vld.idx.msk [tilespmem:v0+s30+$0x10 ss:$0x1], $0xffff;
	[tilespmem:s1+$0xFFFFFFC0] =	vst v57  }
0x59: {  	v63 =	vld.idx.msk [tilespmem:v0+s30+$0x20 ss:$0x1], $0xffff;
	[tilespmem:s1+$0xFFFFFFD0] =	vst v58  }
.Ltmp4:
0x5a: {  	[tilespmem:s1+$0xFFFFFFE0] =	vst v59;
	(pc) =	sbr.rel @p1 .LBB1_4-.Ltmp4, $4  }
0x5b: {  	[tilespmem:s1+$0xFFFFFFF0] =	vst v60  }
0x5c: {  	[tilespmem:s1+$0x0] =	vst v61  }
0x5d: {  	[tilespmem:s1+$0x10] =	vst v62  }
0x5e: {  	p2 =	por $0x0, $0x0;
	s29 =	simm.s32 $0x1;
	[tilespmem:s1+$0x20] =	vst v63  }
.Ltmp5:
0x5f: {  	(pc) =	sbr.rel @p0 .LBB1_3-.Ltmp5, $2  }
0x60: {  	_ =	sdelay $0x2  }
0x61: {  	s27 =	simm.s32 $0x1;
	p1 =	por $0x0, $0x0  }
0x62: {  	s1 =	sshll.u32 s22, $0x9;
	s25 =	sshll.u32 s18, $0x3  }
0x63: {  	s28 =	sshll.u32 s22, $0x7;
	s23 =	smul.u32 $0x60000, s23;
	s26 =	sand.u32 $0x78, s18  }
0x64: {  	s21 =	sshll.u32 s21, $0x11;
	s20 =	sshll.u32 s20, $0xB;
	s19 =	sshll.u32 s19, $0xC  }
0x65: {  	s31 =	sand.u32 $0x7, s18;
	s1 =	sand.u32 $0x3000, s1;
	s25 =	sand.u32 $0x3C00, s25  }
0x66: {  	s29 =	sand.u32 $0x200, s28;
	s22 =	sand.u32 $0x180, s28;
	s23 =	sadd.s32 s4, s23  }
0x67: {  	s1 =	sadd.s32 s1, s25;
	s22 =	sor.u32 s22, s26;
	s21 =	sadd.s32 s21, s23  }
.Ltmp6:
0x68: {  	s1 =	sor.u32 s29, s1;
	s20 =	sadd.s32 s20, s21;
	(pc) =	sbr.rel .LBB1_9-.Ltmp6, $4  }
0x69: {  	s30 =	sshrl.u32 s22, $0x3;
	s1 =	sshrl.u32 s1, $0x3;
	s19 =	sadd.s32 s19, s20  }
0x6a: {  	s18 =	sshll.u32 s31, $0x12;
	s1 =	sand.u32 $0x7C0, s1;
	s19 =	sadd.s32 s30, s19  }
0x6b: {  	s18 =	sor.u32 $0x100, s18;
	s1 =	sadd.s32 s1, s19  }
0x6c: {  	[hbm4b:s1+s18] =	stream.strided.scatter [tilespmem:s24], [sflag:$0x2], $0x4000, s9, s18, $0x38;
	[tilespmem:$0x10000] =	vst v63  }
.LBB1_10:
0x6d: {  	_ =	sfence.sel $0x180000  }
0x6e: {  	s1 =	simm.s32 $0x1;
	[bflag:$0x0] =	sbarrier.arrive $0xFFFF  }
0x6f: {  	s31 =	simm.s32 $0x2;
	[sflag:s1] =	ssyncpa.u1 $0x1  }
0x70: {  	[sflag:s31] =	ssyncpa.u1 $0x1  }
0x71: {  	_ =	strace $0x9000004D  }
0x72: {  	[bflag:$0x2] =	sbarrier.arrive $0xFFFF  }
0x73: {  	p0 =	sne.s32 s0, $0x0;
	s0 =	rddreg [dreg:$0x1]  }
0x74: {  	s0 =	sadd.s32 @!p0 $0x100000, s0  }
0x75: {  	[sflag:s0] =	ssyncadd.tile.s32 @!p0 $0x1;
	_ =	shalt  }
.Lfunc_end1:
_tile_overlayer_lowered:
.L_overlay_start_2:
0x76: {  	(tag) =	ssettag $0x2  }
0x77: {  	s0 =	rddreg [dreg:$0x0];
	s2 =	stileid.u32  }
0x78: {  	s1 =	rddreg [dreg:$0x1];
	p0 =	sne.s32 s2, $0x0  }
0x79: {  	s3 =	rddreg [dreg:$0x2];
	[bflag:$0x3] =	sbarrier.arrive $0xFFFF;
	s2 =	simm.s32 @!p0 $0x1C01  }
0x7a: {  	[timem:s3], [sflag:s2] =	dma.local @!p0 [hbm:s0], s1  }
0x7b: {  	s0 =	simm.s32 @!p0 $0x1  }
0x7c: {  	_ =	swait.ge @!p0 [sflag:s0], s1  }
0x7d: {  	s1 =	ssub.s32 @!p0 $0x0, s1;
	[sflag:s0] =	ssyncset.done @!p0 $0x0  }
0x7e: {  	[sflag:s0] =	ssyncadd.s32 @!p0 s1  }
0x7f: {  	[bflag:$0x3] =	sbarrier.arrive $0xFFFF  }
0x80: {  	_ =	shalt  }

</sc_bundles>
